<compile_context>
chip_gen: v7x
topology: tpu7x:2x2x1
jax: 0.10.2.dev20260603
libtpu: 0.0.44.dev20260713+nightly
codegen_flags: <defaults>
</compile_context>

<pallas_src>
import functools

import jax
import jax.numpy as jnp
from jax import lax
from jax.experimental import pallas as pl
from jax.experimental.pallas import tpu as pltpu
from jax.experimental.pallas import tpu_sc as plsc

VOCAB = 1000000
EMB_DIM = 64
BATCH = 16384

NC = 2
NS = 16
NW = NC * NS
B_PER_W = BATCH // NW
K = 16

_mesh = plsc.VectorSubcoreMesh(core_axis_name="c", subcore_axis_name="s")


@functools.partial(
    pl.kernel,
    mesh=_mesh,
    out_type=jax.ShapeDtypeStruct((BATCH, EMB_DIM), jnp.float32),
    scratch_types=[
        pltpu.VMEM_SHARED((BATCH,), jnp.int32),
        pltpu.SMEM((B_PER_W,), jnp.int32),
        pltpu.VMEM((B_PER_W, EMB_DIM), jnp.float32),
        pltpu.SemaphoreType.DMA,
    ],
)
def _gather_rows(table_hbm, idx_hbm, out_hbm, idx_sp, idx_s, rows_v, sem):
    cid = lax.axis_index("c")
    sid = lax.axis_index("s")
    wid = sid * NC + cid
    base = wid * B_PER_W

    @pl.when(sid == 0)
    def _():
        pltpu.sync_copy(idx_hbm, idx_sp)

    plsc.subcore_barrier()
    pltpu.sync_copy(idx_sp.at[pl.ds(base, B_PER_W)], idx_s)

    def chunk(g, carry):
        row0 = g * K
        for j in range(K):
            pltpu.async_copy(
                table_hbm.at[idx_s[row0 + j]],
                rows_v.at[row0 + j],
                sem,
            )

        @pl.when(g > 1)
        def _():
            prev0 = (g - 2) * K
            for j in range(K):
                pltpu.make_async_copy(
                    table_hbm.at[0], rows_v.at[prev0 + j], sem
                ).wait()
        return carry

    lax.fori_loop(0, B_PER_W // K, chunk, 0)
    for j in range(2 * K):
        pltpu.make_async_copy(
            table_hbm.at[0], rows_v.at[B_PER_W - 2 * K + j], sem
        ).wait()
    pltpu.sync_copy(rows_v, out_hbm.at[pl.ds(base, B_PER_W)])


def kernel(indices, table):
    return _gather_rows(table, indices.astype(jnp.int32))

# --- scband reference (transcript-rebuilt; emitter-appended) ---
"""Pipeline reference for scband-embedding-15401752723963 (READ-ONLY COPY).

The authoritative reference and input builder live on the scoring server;
editing this copy changes nothing except your own understanding.
"""

import jax, jax.numpy as jnp
import numpy as np

VOCAB = 1000000
EMB_DIM = 64
BATCH = 16384


def setup_inputs(seed: int = 0) -> dict:
    key = jax.random.key(seed)
    k1, k2 = jax.random.split(key)
    indices = jax.random.randint(k1, (BATCH,), 0, VOCAB)
    # Learned parameter: the (random_vocab) embedding table, initialized as in the
    # torch module: randn, then normalized by the mean row norm.
    table = jax.random.normal(k2, (VOCAB, EMB_DIM), dtype=jnp.float32)
    table = table / jnp.mean(jnp.linalg.norm(table, axis=1))
    return {"indices": indices, "table": table}


def reference(indices, table):
    # nn.Embedding forward: row gather from the table.
    out = jnp.take(table, indices, axis=0)
    return out

if __name__ == "__main__":
    import jax
    _d = setup_inputs()
    print(jax.jit(kernel)(*tuple(_d.values())))

</pallas_src>

<mosaic_0001>
#map = affine_map<(d0, d1) -> (0, 0)>
#map1 = affine_map<(d0, d1) -> (0)>
module attributes {stable_mosaic.version = 14 : i64} {
  func.func @_gather_rows(%arg0: i32, %arg1: i32, %arg2: memref<1000000x64xf32, #tpu.memory_space<hbm>>, %arg3: memref<16384xi32, #tpu.memory_space<hbm>>, %arg4: memref<16384x64xf32, #tpu.memory_space<hbm>>, %arg5: memref<16384xi32, #tpu.memory_space<vmem_shared>>, %arg6: memref<512xi32, #tpu.memory_space<smem>>, %arg7: memref<512x64xf32, #tpu.memory_space<vmem>>, %arg8: memref<!tpu.dma_semaphore, #tpu.memory_space<semaphore_mem>>) attributes {dimension_semantics = [#tpu.dimension_semantics<core_parallel>, #tpu.dimension_semantics<subcore_parallel>], iteration_bounds = array<i64: 2, 16>, scalar_prefetch = 0 : i64, scratch_operands = 4 : i64, tpu.core_type = #tpu.core_type<sc_vector_subcore>, window_params = [{transform_indices = #map}, {transform_indices = #map1}, {transform_indices = #map}]} {
    %mul3A = arith.constant 2 : i32
    %mul3A_0 = arith.muli %arg1, %mul3A : i32
    %add3A = arith.addi %mul3A_0, %arg0 : i32
    %mul3A_1 = arith.constant 512 : i32
    %mul3A_2 = arith.muli %add3A, %mul3A_1 : i32
    %eq3A = arith.constant 0 : i32
    %eq3A_3 = arith.cmpi eq, %arg1, %eq3A : i32
    %convert_element_type3A = arith.extui %eq3A_3 : i1 to i32
    %cond3A = arith.constant 0 : i32
    %cond3A_4 = arith.cmpi ne, %convert_element_type3A, %cond3A : i32
    scf.if %cond3A_4 {
      "tpu.region"() ({
        %run_scoped3A = tpu.sem_alloc : memref<!tpu.dma_semaphore, #tpu.memory_space<semaphore_mem>>
        tpu.enqueue_dma source(%arg3 : memref<16384xi32, #tpu.memory_space<hbm>>) target(%arg5 : memref<16384xi32, #tpu.memory_space<vmem_shared>>) target_semaphore(%run_scoped3A : memref<!tpu.dma_semaphore, #tpu.memory_space<semaphore_mem>>)
        tpu.wait_dma2 semaphore(%run_scoped3A : memref<!tpu.dma_semaphore, #tpu.memory_space<semaphore_mem>>) src(%arg3 : memref<16384xi32, #tpu.memory_space<hbm>>) dst(%arg5 : memref<16384xi32, #tpu.memory_space<vmem_shared>>)
        tpu.yield
      }) : () -> ()
    } else {
    }
    %barrier3A = arith.constant 0 : index
    tpu.barrier barrier_id(%barrier3A)
    "tpu.region"() ({
      %run_scoped3A = tpu.sem_alloc : memref<!tpu.dma_semaphore, #tpu.memory_space<semaphore_mem>>
      %dma_start3A = tpu.memref_slice %arg5[%mul3A_2] : memref<16384xi32, #tpu.memory_space<vmem_shared>> -> memref<512xi32, #tpu.memory_space<vmem_shared>>
      tpu.enqueue_dma source(%dma_start3A : memref<512xi32, #tpu.memory_space<vmem_shared>>) target(%arg6 : memref<512xi32, #tpu.memory_space<smem>>) target_semaphore(%run_scoped3A : memref<!tpu.dma_semaphore, #tpu.memory_space<semaphore_mem>>)
      %dma_wait3A_457 = tpu.memref_slice %arg5[%mul3A_2] : memref<16384xi32, #tpu.memory_space<vmem_shared>> -> memref<512xi32, #tpu.memory_space<vmem_shared>>
      tpu.wait_dma2 semaphore(%run_scoped3A : memref<!tpu.dma_semaphore, #tpu.memory_space<semaphore_mem>>) src(%dma_wait3A_457 : memref<512xi32, #tpu.memory_space<vmem_shared>>) dst(%arg6 : memref<512xi32, #tpu.memory_space<smem>>)
      tpu.yield
    }) : () -> ()
    %scan3A = arith.constant 0 : i32
    %scan3A_5 = arith.constant 0 : i32
    %scan3A_6 = arith.constant 32 : i32
    %scan3A_7 = arith.addi %scan3A_5, %scan3A_6 : i32
    %scan3A_8 = arith.constant 1 : i32
    scf.for %scan3A_457 = %scan3A_5 to %scan3A_7 step %scan3A_8  : i32 {
      %mul3A_458 = arith.constant 16 : i32
      %mul3A_459 = arith.muli %scan3A_457, %mul3A_458 : i32
      %add3A_460 = arith.constant 0 : i32
      %add3A_461 = arith.addi %mul3A_459, %add3A_460 : i32
      %get3A = arith.index_cast %add3A_461 : i32 to index
      %get3A_462 = memref.load %arg6[%get3A] : memref<512xi32, #tpu.memory_space<smem>>
      %add3A_463 = arith.constant 0 : i32
      %add3A_464 = arith.addi %mul3A_459, %add3A_463 : i32
      %dma_start3A = arith.constant 0 : i32
      %dma_start3A_465 = tpu.memref_slice %arg7[%add3A_464, %dma_start3A] : memref<512x64xf32, #tpu.memory_space<vmem>> -> memref<1x64xf32, #tpu.memory_space<vmem>>
      %dma_start3A_466 = tpu.memref_squeeze %dma_start3A_465 : memref<1x64xf32, #tpu.memory_space<vmem>> -> memref<64xf32, #tpu.memory_space<vmem>>
      %dma_start3A_467 = arith.constant 0 : i32
      %dma_start3A_468 = tpu.memref_slice %arg2[%get3A_462, %dma_start3A_467] : memref<1000000x64xf32, #tpu.memory_space<hbm>> -> memref<1x64xf32, #tpu.memory_space<hbm>>
      %dma_start3A_469 = tpu.memref_squeeze %dma_start3A_468 : memref<1x64xf32, #tpu.memory_space<hbm>> -> memref<64xf32, #tpu.memory_space<hbm>>
      %dma_start3A_470 = arith.constant 0 : i32
      %dma_start3A_471 = tpu.memref_slice %arg7[%add3A_464, %dma_start3A_470] : memref<512x64xf32, #tpu.memory_space<vmem>> -> memref<1x64xf32, #tpu.memory_space<vmem>>
      %dma_start3A_472 = tpu.memref_squeeze %dma_start3A_471 : memref<1x64xf32, #tpu.memory_space<vmem>> -> memref<64xf32, #tpu.memory_space<vmem>>
      %dma_start3A_473 = arith.constant 0 : i32
      %dma_start3A_474 = tpu.memref_slice %arg2[%get3A_462, %dma_start3A_473] : memref<1000000x64xf32, #tpu.memory_space<hbm>> -> memref<1x64xf32, #tpu.memory_space<hbm>>
      %dma_start3A_475 = tpu.memref_squeeze %dma_start3A_474 : memref<1x64xf32, #tpu.memory_space<hbm>> -> memref<64xf32, #tpu.memory_space<hbm>>
      tpu.enqueue_dma source(%dma_start3A_475 : memref<64xf32, #tpu.memory_space<hbm>>) target(%dma_start3A_472 : memref<64xf32, #tpu.memory_space<vmem>>) target_semaphore(%arg8 : memref<!tpu.dma_semaphore, #tpu.memory_space<semaphore_mem>>)
      %add3A_476 = arith.constant 1 : i32
      %add3A_477 = arith.addi %mul3A_459, %add3A_476 : i32
      %get3A_478 = arith.index_cast %add3A_477 : i32 to index
      %get3A_479 = memref.load %arg6[%get3A_478] : memref<512xi32, #tpu.memory_space<smem>>
      %add3A_480 = arith.constant 1 : i32
      %add3A_481 = arith.addi %mul3A_459, %add3A_480 : i32
      %dma_start3A_482 = arith.constant 0 : i32
      %dma_start3A_483 = tpu.memref_slice %arg7[%add3A_481, %dma_start3A_482] : memref<512x64xf32, #tpu.memory_space<vmem>> -> memref<1x64xf32, #tpu.memory_space<vmem>>
      %dma_start3A_484 = tpu.memref_squeeze %dma_start3A_483 : memref<1x64xf32, #tpu.memory_space<vmem>> -> memref<64xf32, #tpu.memory_space<vmem>>
      %dma_start3A_485 = arith.constant 0 : i32
      %dma_start3A_486 = tpu.memref_slice %arg2[%get3A_479, %dma_start3A_485] : memref<1000000x64xf32, #tpu.memory_space<hbm>> -> memref<1x64xf32, #tpu.memory_space<hbm>>
      %dma_start3A_487 = tpu.memref_squeeze %dma_start3A_486 : memref<1x64xf32, #tpu.memory_space<hbm>> -> memref<64xf32, #tpu.memory_space<hbm>>
      %dma_start3A_488 = arith.constant 0 : i32
      %dma_start3A_489 = tpu.memref_slice %arg7[%add3A_481, %dma_start3A_488] : memref<512x64xf32, #tpu.memory_space<vmem>> -> memref<1x64xf32, #tpu.memory_space<vmem>>
      %dma_start3A_490 = tpu.memref_squeeze %dma_start3A_489 : memref<1x64xf32, #tpu.memory_space<vmem>> -> memref<64xf32, #tpu.memory_space<vmem>>
      %dma_start3A_491 = arith.constant 0 : i32
      %dma_start3A_492 = tpu.memref_slice %arg2[%get3A_479, %dma_start3A_491] : memref<1000000x64xf32, #tpu.memory_space<hbm>> -> memref<1x64xf32, #tpu.memory_space<hbm>>
      %dma_start3A_493 = tpu.memref_squeeze %dma_start3A_492 : memref<1x64xf32, #tpu.memory_space<hbm>> -> memref<64xf32, #tpu.memory_space<hbm>>
      tpu.enqueue_dma source(%dma_start3A_493 : memref<64xf32, #tpu.memory_space<hbm>>) target(%dma_start3A_490 : memref<64xf32, #tpu.memory_space<vmem>>) target_semaphore(%arg8 : memref<!tpu.dma_semaphore, #tpu.memory_space<semaphore_mem>>)
      %add3A_494 = arith.constant 2 : i32
      %add3A_495 = arith.addi %mul3A_459, %add3A_494 : i32
      %get3A_496 = arith.index_cast %add3A_495 : i32 to index
      %get3A_497 = memref.load %arg6[%get3A_496] : memref<512xi32, #tpu.memory_space<smem>>
      %add3A_498 = arith.constant 2 : i32
      %add3A_499 = arith.addi %mul3A_459, %add3A_498 : i32
      %dma_start3A_500 = arith.constant 0 : i32
      %dma_start3A_501 = tpu.memref_slice %arg7[%add3A_499, %dma_start3A_500] : memref<512x64xf32, #tpu.memory_space<vmem>> -> memref<1x64xf32, #tpu.memory_space<vmem>>
      %dma_start3A_502 = tpu.memref_squeeze %dma_start3A_501 : memref<1x64xf32, #tpu.memory_space<vmem>> -> memref<64xf32, #tpu.memory_space<vmem>>
      %dma_start3A_503 = arith.constant 0 : i32
      %dma_start3A_504 = tpu.memref_slice %arg2[%get3A_497, %dma_start3A_503] : memref<1000000x64xf32, #tpu.memory_space<hbm>> -> memref<1x64xf32, #tpu.memory_space<hbm>>
      %dma_start3A_505 = tpu.memref_squeeze %dma_start3A_504 : memref<1x64xf32, #tpu.memory_space<hbm>> -> memref<64xf32, #tpu.memory_space<hbm>>
      %dma_start3A_506 = arith.constant 0 : i32
      %dma_start3A_507 = tpu.memref_slice %arg7[%add3A_499, %dma_start3A_506] : memref<512x64xf32, #tpu.memory_space<vmem>> -> memref<1x64xf32, #tpu.memory_space<vmem>>
      %dma_start3A_508 = tpu.memref_squeeze %dma_start3A_507 : memref<1x64xf32, #tpu.memory_space<vmem>> -> memref<64xf32, #tpu.memory_space<vmem>>
      %dma_start3A_509 = arith.constant 0 : i32
      %dma_start3A_510 = tpu.memref_slice %arg2[%get3A_497, %dma_start3A_509] : memref<1000000x64xf32, #tpu.memory_space<hbm>> -> memref<1x64xf32, #tpu.memory_space<hbm>>
      %dma_start3A_511 = tpu.memref_squeeze %dma_start3A_510 : memref<1x64xf32, #tpu.memory_space<hbm>> -> memref<64xf32, #tpu.memory_space<hbm>>
      tpu.enqueue_dma source(%dma_start3A_511 : memref<64xf32, #tpu.memory_space<hbm>>) target(%dma_start3A_508 : memref<64xf32, #tpu.memory_space<vmem>>) target_semaphore(%arg8 : memref<!tpu.dma_semaphore, #tpu.memory_space<semaphore_mem>>)
      %add3A_512 = arith.constant 3 : i32
      %add3A_513 = arith.addi %mul3A_459, %add3A_512 : i32
      %get3A_514 = arith.index_cast %add3A_513 : i32 to index
      %get3A_515 = memref.load %arg6[%get3A_514] : memref<512xi32, #tpu.memory_space<smem>>
      %add3A_516 = arith.constant 3 : i32
      %add3A_517 = arith.addi %mul3A_459, %add3A_516 : i32
      %dma_start3A_518 = arith.constant 0 : i32
      %dma_start3A_519 = tpu.memref_slice %arg7[%add3A_517, %dma_start3A_518] : memref<512x64xf32, #tpu.memory_space<vmem>> -> memref<1x64xf32, #tpu.memory_space<vmem>>
      %dma_start3A_520 = tpu.memref_squeeze %dma_start3A_519 : memref<1x64xf32, #tpu.memory_space<vmem>> -> memref<64xf32, #tpu.memory_space<vmem>>
      %dma_start3A_521 = arith.constant 0 : i32
      %dma_start3A_522 = tpu.memref_slice %arg2[%get3A_515, %dma_start3A_521] : memref<1000000x64xf32, #tpu.memory_space<hbm>> -> memref<1x64xf32, #tpu.memory_space<hbm>>
      %dma_start3A_523 = tpu.memref_squeeze %dma_start3A_522 : memref<1x64xf32, #tpu.memory_space<hbm>> -> memref<64xf32, #tpu.memory_space<hbm>>
      %dma_start3A_524 = arith.constant 0 : i32
      %dma_start3A_525 = tpu.memref_slice %arg7[%add3A_517, %dma_start3A_524] : memref<512x64xf32, #tpu.memory_space<vmem>> -> memref<1x64xf32, #tpu.memory_space<vmem>>
      %dma_start3A_526 = tpu.memref_squeeze %dma_start3A_525 : memref<1x64xf32, #tpu.memory_space<vmem>> -> memref<64xf32, #tpu.memory_space<vmem>>
      %dma_start3A_527 = arith.constant 0 : i32
      %dma_start3A_528 = tpu.memref_slice %arg2[%get3A_515, %dma_start3A_527] : memref<1000000x64xf32, #tpu.memory_space<hbm>> -> memref<1x64xf32, #tpu.memory_space<hbm>>
      %dma_start3A_529 = tpu.memref_squeeze %dma_start3A_528 : memref<1x64xf32, #tpu.memory_space<hbm>> -> memref<64xf32, #tpu.memory_space<hbm>>
      tpu.enqueue_dma source(%dma_start3A_529 : memref<64xf32, #tpu.memory_space<hbm>>) target(%dma_start3A_526 : memref<64xf32, #tpu.memory_space<vmem>>) target_semaphore(%arg8 : memref<!tpu.dma_semaphore, #tpu.memory_space<semaphore_mem>>)
      %add3A_530 = arith.constant 4 : i32
      %add3A_531 = arith.addi %mul3A_459, %add3A_530 : i32
      %get3A_532 = arith.index_cast %add3A_531 : i32 to index
      %get3A_533 = memref.load %arg6[%get3A_532] : memref<512xi32, #tpu.memory_space<smem>>
      %add3A_534 = arith.constant 4 : i32
      %add3A_535 = arith.addi %mul3A_459, %add3A_534 : i32
      %dma_start3A_536 = arith.constant 0 : i32
      %dma_start3A_537 = tpu.memref_slice %arg7[%add3A_535, %dma_start3A_536] : memref<512x64xf32, #tpu.memory_space<vmem>> -> memref<1x64xf32, #tpu.memory_space<vmem>>
      %dma_start3A_538 = tpu.memref_squeeze %dma_start3A_537 : memref<1x64xf32, #tpu.memory_space<vmem>> -> memref<64xf32, #tpu.memory_space<vmem>>
      %dma_start3A_539 = arith.constant 0 : i32
      %dma_start3A_540 = tpu.memref_slice %arg2[%get3A_533, %dma_start3A_539] : memref<1000000x64xf32, #tpu.memory_space<hbm>> -> memref<1x64xf32, #tpu.memory_space<hbm>>
      %dma_start3A_541 = tpu.memref_squeeze %dma_start3A_540 : memref<1x64xf32, #tpu.memory_space<hbm>> -> memref<64xf32, #tpu.memory_space<hbm>>
      %dma_start3A_542 = arith.constant 0 : i32
      %dma_start3A_543 = tpu.memref_slice %arg7[%add3A_535, %dma_start3A_542] : memref<512x64xf32, #tpu.memory_space<vmem>> -> memref<1x64xf32, #tpu.memory_space<vmem>>
      %dma_start3A_544 = tpu.memref_squeeze %dma_start3A_543 : memref<1x64xf32, #tpu.memory_space<vmem>> -> memref<64xf32, #tpu.memory_space<vmem>>
      %dma_start3A_545 = arith.constant 0 : i32
      %dma_start3A_546 = tpu.memref_slice %arg2[%get3A_533, %dma_start3A_545] : memref<1000000x64xf32, #tpu.memory_space<hbm>> -> memref<1x64xf32, #tpu.memory_space<hbm>>
      %dma_start3A_547 = tpu.memref_squeeze %dma_start3A_546 : memref<1x64xf32, #tpu.memory_space<hbm>> -> memref<64xf32, #tpu.memory_space<hbm>>
      tpu.enqueue_dma source(%dma_start3A_547 : memref<64xf32, #tpu.memory_space<hbm>>) target(%dma_start3A_544 : memref<64xf32, #tpu.memory_space<vmem>>) target_semaphore(%arg8 : memref<!tpu.dma_semaphore, #tpu.memory_space<semaphore_mem>>)
      %add3A_548 = arith.constant 5 : i32
      %add3A_549 = arith.addi %mul3A_459, %add3A_548 : i32
      %get3A_550 = arith.index_cast %add3A_549 : i32 to index
      %get3A_551 = memref.load %arg6[%get3A_550] : memref<512xi32, #tpu.memory_space<smem>>
      %add3A_552 = arith.constant 5 : i32
      %add3A_553 = arith.addi %mul3A_459, %add3A_552 : i32
      %dma_start3A_554 = arith.constant 0 : i32
      %dma_start3A_555 = tpu.memref_slice %arg7[%add3A_553, %dma_start3A_554] : memref<512x64xf32, #tpu.memory_space<vmem>> -> memref<1x64xf32, #tpu.memory_space<vmem>>
      %dma_start3A_556 = tpu.memref_squeeze %dma_start3A_555 : memref<1x64xf32, #tpu.memory_space<vmem>> -> memref<64xf32, #tpu.memory_space<vmem>>
      %dma_start3A_557 = arith.constant 0 : i32
      %dma_start3A_558 = tpu.memref_slice %arg2[%get3A_551, %dma_start3A_557] : memref<1000000x64xf32, #tpu.memory_space<hbm>> -> memref<1x64xf32, #tpu.memory_space<hbm>>
      %dma_start3A_559 = tpu.memref_squeeze %dma_start3A_558 : memref<1x64xf32, #tpu.memory_space<hbm>> -> memref<64xf32, #tpu.memory_space<hbm>>
      %dma_start3A_560 = arith.constant 0 : i32
      %dma_start3A_561 = tpu.memref_slice %arg7[%add3A_553, %dma_start3A_560] : memref<512x64xf32, #tpu.memory_space<vmem>> -> memref<1x64xf32, #tpu.memory_space<vmem>>
      %dma_start3A_562 = tpu.memref_squeeze %dma_start3A_561 : memref<1x64xf32, #tpu.memory_space<vmem>> -> memref<64xf32, #tpu.memory_space<vmem>>
      %dma_start3A_563 = arith.constant 0 : i32
      %dma_start3A_564 = tpu.memref_slice %arg2[%get3A_551, %dma_start3A_563] : memref<1000000x64xf32, #tpu.memory_space<hbm>> -> memref<1x64xf32, #tpu.memory_space<hbm>>
      %dma_start3A_565 = tpu.memref_squeeze %dma_start3A_564 : memref<1x64xf32, #tpu.memory_space<hbm>> -> memref<64xf32, #tpu.memory_space<hbm>>
      tpu.enqueue_dma source(%dma_start3A_565 : memref<64xf32, #tpu.memory_space<hbm>>) target(%dma_start3A_562 : memref<64xf32, #tpu.memory_space<vmem>>) target_semaphore(%arg8 : memref<!tpu.dma_semaphore, #tpu.memory_space<semaphore_mem>>)
      %add3A_566 = arith.constant 6 : i32
      %add3A_567 = arith.addi %mul3A_459, %add3A_566 : i32
      %get3A_568 = arith.index_cast %add3A_567 : i32 to index
      %get3A_569 = memref.load %arg6[%get3A_568] : memref<512xi32, #tpu.memory_space<smem>>
      %add3A_570 = arith.constant 6 : i32
      %add3A_571 = arith.addi %mul3A_459, %add3A_570 : i32
      %dma_start3A_572 = arith.constant 0 : i32
      %dma_start3A_573 = tpu.memref_slice %arg7[%add3A_571, %dma_start3A_572] : memref<512x64xf32, #tpu.memory_space<vmem>> -> memref<1x64xf32, #tpu.memory_space<vmem>>
      %dma_start3A_574 = tpu.memref_squeeze %dma_start3A_573 : memref<1x64xf32, #tpu.memory_space<vmem>> -> memref<64xf32, #tpu.memory_space<vmem>>
      %dma_start3A_575 = arith.constant 0 : i32
      %dma_start3A_576 = tpu.memref_slice %arg2[%get3A_569, %dma_start3A_575] : memref<1000000x64xf32, #tpu.memory_space<hbm>> -> memref<1x64xf32, #tpu.memory_space<hbm>>
      %dma_start3A_577 = tpu.memref_squeeze %dma_start3A_576 : memref<1x64xf32, #tpu.memory_space<hbm>> -> memref<64xf32, #tpu.memory_space<hbm>>
      %dma_start3A_578 = arith.constant 0 : i32
      %dma_start3A_579 = tpu.memref_slice %arg7[%add3A_571, %dma_start3A_578] : memref<512x64xf32, #tpu.memory_space<vmem>> -> memref<1x64xf32, #tpu.memory_space<vmem>>
      %dma_start3A_580 = tpu.memref_squeeze %dma_start3A_579 : memref<1x64xf32, #tpu.memory_space<vmem>> -> memref<64xf32, #tpu.memory_space<vmem>>
      %dma_start3A_581 = arith.constant 0 : i32
      %dma_start3A_582 = tpu.memref_slice %arg2[%get3A_569, %dma_start3A_581] : memref<1000000x64xf32, #tpu.memory_space<hbm>> -> memref<1x64xf32, #tpu.memory_space<hbm>>
      %dma_start3A_583 = tpu.memref_squeeze %dma_start3A_582 : memref<1x64xf32, #tpu.memory_space<hbm>> -> memref<64xf32, #tpu.memory_space<hbm>>
      tpu.enqueue_dma source(%dma_start3A_583 : memref<64xf32, #tpu.memory_space<hbm>>) target(%dma_start3A_580 : memref<64xf32, #tpu.memory_space<vmem>>) target_semaphore(%arg8 : memref<!tpu.dma_semaphore, #tpu.memory_space<semaphore_mem>>)
      %add3A_584 = arith.constant 7 : i32
      %add3A_585 = arith.addi %mul3A_459, %add3A_584 : i32
      %get3A_586 = arith.index_cast %add3A_585 : i32 to index
      %get3A_587 = memref.load %arg6[%get3A_586] : memref<512xi32, #tpu.memory_space<smem>>
      %add3A_588 = arith.constant 7 : i32
      %add3A_589 = arith.addi %mul3A_459, %add3A_588 : i32
      %dma_start3A_590 = arith.constant 0 : i32
      %dma_start3A_591 = tpu.memref_slice %arg7[%add3A_589, %dma_start3A_590] : memref<512x64xf32, #tpu.memory_space<vmem>> -> memref<1x64xf32, #tpu.memory_space<vmem>>
      %dma_start3A_592 = tpu.memref_squeeze %dma_start3A_591 : memref<1x64xf32, #tpu.memory_space<vmem>> -> memref<64xf32, #tpu.memory_space<vmem>>
      %dma_start3A_593 = arith.constant 0 : i32
      %dma_start3A_594 = tpu.memref_slice %arg2[%get3A_587, %dma_start3A_593] : memref<1000000x64xf32, #tpu.memory_space<hbm>> -> memref<1x64xf32, #tpu.memory_space<hbm>>
      %dma_start3A_595 = tpu.memref_squeeze %dma_start3A_594 : memref<1x64xf32, #tpu.memory_space<hbm>> -> memref<64xf32, #tpu.memory_space<hbm>>
      %dma_start3A_596 = arith.constant 0 : i32
      %dma_start3A_597 = tpu.memref_slice %arg7[%add3A_589, %dma_start3A_596] : memref<512x64xf32, #tpu.memory_space<vmem>> -> memref<1x64xf32, #tpu.memory_space<vmem>>
      %dma_start3A_598 = tpu.memref_squeeze %dma_start3A_597 : memref<1x64xf32, #tpu.memory_space<vmem>> -> memref<64xf32, #tpu.memory_space<vmem>>
      %dma_start3A_599 = arith.constant 0 : i32
      %dma_start3A_600 = tpu.memref_slice %arg2[%get3A_587, %dma_start3A_599] : memref<1000000x64xf32, #tpu.memory_space<hbm>> -> memref<1x64xf32, #tpu.memory_space<hbm>>
      %dma_start3A_601 = tpu.memref_squeeze %dma_start3A_600 : memref<1x64xf32, #tpu.memory_space<hbm>> -> memref<64xf32, #tpu.memory_space<hbm>>
      tpu.enqueue_dma source(%dma_start3A_601 : memref<64xf32, #tpu.memory_space<hbm>>) target(%dma_start3A_598 : memref<64xf32, #tpu.memory_space<vmem>>) target_semaphore(%arg8 : memref<!tpu.dma_semaphore, #tpu.memory_space<semaphore_mem>>)
      %add3A_602 = arith.constant 8 : i32
      %add3A_603 = arith.addi %mul3A_459, %add3A_602 : i32
      %get3A_604 = arith.index_cast %add3A_603 : i32 to index
      %get3A_605 = memref.load %arg6[%get3A_604] : memref<512xi32, #tpu.memory_space<smem>>
      %add3A_606 = arith.constant 8 : i32
      %add3A_607 = arith.addi %mul3A_459, %add3A_606 : i32
      %dma_start3A_608 = arith.constant 0 : i32
      %dma_start3A_609 = tpu.memref_slice %arg7[%add3A_607, %dma_start3A_608] : memref<512x64xf32, #tpu.memory_space<vmem>> -> memref<1x64xf32, #tpu.memory_space<vmem>>
      %dma_start3A_610 = tpu.memref_squeeze %dma_start3A_609 : memref<1x64xf32, #tpu.memory_space<vmem>> -> memref<64xf32, #tpu.memory_space<vmem>>
      %dma_start3A_611 = arith.constant 0 : i32
      %dma_start3A_612 = tpu.memref_slice %arg2[%get3A_605, %dma_start3A_611] : memref<1000000x64xf32, #tpu.memory_space<hbm>> -> memref<1x64xf32, #tpu.memory_space<hbm>>
      %dma_start3A_613 = tpu.memref_squeeze %dma_start3A_612 : memref<1x64xf32, #tpu.memory_space<hbm>> -> memref<64xf32, #tpu.memory_space<hbm>>
      %dma_start3A_614 = arith.constant 0 : i32
      %dma_start3A_615 = tpu.memref_slice %arg7[%add3A_607, %dma_start3A_614] : memref<512x64xf32, #tpu.memory_space<vmem>> -> memref<1x64xf32, #tpu.memory_space<vmem>>
      %dma_start3A_616 = tpu.memref_squeeze %dma_start3A_615 : memref<1x64xf32, #tpu.memory_space<vmem>> -> memref<64xf32, #tpu.memory_space<vmem>>
      %dma_start3A_617 = arith.constant 0 : i32
      %dma_start3A_618 = tpu.memref_slice %arg2[%get3A_605, %dma_start3A_617] : memref<1000000x64xf32, #tpu.memory_space<hbm>> -> memref<1x64xf32, #tpu.memory_space<hbm>>
      %dma_start3A_619 = tpu.memref_squeeze %dma_start3A_618 : memref<1x64xf32, #tpu.memory_space<hbm>> -> memref<64xf32, #tpu.memory_space<hbm>>
      tpu.enqueue_dma source(%dma_start3A_619 : memref<64xf32, #tpu.memory_space<hbm>>) target(%dma_start3A_616 : memref<64xf32, #tpu.memory_space<vmem>>) target_semaphore(%arg8 : memref<!tpu.dma_semaphore, #tpu.memory_space<semaphore_mem>>)
      %add3A_620 = arith.constant 9 : i32
      %add3A_621 = arith.addi %mul3A_459, %add3A_620 : i32
      %get3A_622 = arith.index_cast %add3A_621 : i32 to index
      %get3A_623 = memref.load %arg6[%get3A_622] : memref<512xi32, #tpu.memory_space<smem>>
      %add3A_624 = arith.constant 9 : i32
      %add3A_625 = arith.addi %mul3A_459, %add3A_624 : i32
      %dma_start3A_626 = arith.constant 0 : i32
      %dma_start3A_627 = tpu.memref_slice %arg7[%add3A_625, %dma_start3A_626] : memref<512x64xf32, #tpu.memory_space<vmem>> -> memref<1x64xf32, #tpu.memory_space<vmem>>
      %dma_start3A_628 = tpu.memref_squeeze %dma_start3A_627 : memref<1x64xf32, #tpu.memory_space<vmem>> -> memref<64xf32, #tpu.memory_space<vmem>>
      %dma_start3A_629 = arith.constant 0 : i32
      %dma_start3A_630 = tpu.memref_slice %arg2[%get3A_623, %dma_start3A_629] : memref<1000000x64xf32, #tpu.memory_space<hbm>> -> memref<1x64xf32, #tpu.memory_space<hbm>>
      %dma_start3A_631 = tpu.memref_squeeze %dma_start3A_630 : memref<1x64xf32, #tpu.memory_space<hbm>> -> memref<64xf32, #tpu.memory_space<hbm>>
      %dma_start3A_632 = arith.constant 0 : i32
      %dma_start3A_633 = tpu.memref_slice %arg7[%add3A_625, %dma_start3A_632] : memref<512x64xf32, #tpu.memory_space<vmem>> -> memref<1x64xf32, #tpu.memory_space<vmem>>
      %dma_start3A_634 = tpu.memref_squeeze %dma_start3A_633 : memref<1x64xf32, #tpu.memory_space<vmem>> -> memref<64xf32, #tpu.memory_space<vmem>>
      %dma_start3A_635 = arith.constant 0 : i32
      %dma_start3A_636 = tpu.memref_slice %arg2[%get3A_623, %dma_start3A_635] : memref<1000000x64xf32, #tpu.memory_space<hbm>> -> memref<1x64xf32, #tpu.memory_space<hbm>>
      %dma_start3A_637 = tpu.memref_squeeze %dma_start3A_636 : memref<1x64xf32, #tpu.memory_space<hbm>> -> memref<64xf32, #tpu.memory_space<hbm>>
      tpu.enqueue_dma source(%dma_start3A_637 : memref<64xf32, #tpu.memory_space<hbm>>) target(%dma_start3A_634 : memref<64xf32, #tpu.memory_space<vmem>>) target_semaphore(%arg8 : memref<!tpu.dma_semaphore, #tpu.memory_space<semaphore_mem>>)
      %add3A_638 = arith.constant 10 : i32
      %add3A_639 = arith.addi %mul3A_459, %add3A_638 : i32
      %get3A_640 = arith.index_cast %add3A_639 : i32 to index
      %get3A_641 = memref.load %arg6[%get3A_640] : memref<512xi32, #tpu.memory_space<smem>>
      %add3A_642 = arith.constant 10 : i32
      %add3A_643 = arith.addi %mul3A_459, %add3A_642 : i32
      %dma_start3A_644 = arith.constant 0 : i32
      %dma_start3A_645 = tpu.memref_slice %arg7[%add3A_643, %dma_start3A_644] : memref<512x64xf32, #tpu.memory_space<vmem>> -> memref<1x64xf32, #tpu.memory_space<vmem>>
      %dma_start3A_646 = tpu.memref_squeeze %dma_start3A_645 : memref<1x64xf32, #tpu.memory_space<vmem>> -> memref<64xf32, #tpu.memory_space<vmem>>
      %dma_start3A_647 = arith.constant 0 : i32
      %dma_start3A_648 = tpu.memref_slice %arg2[%get3A_641, %dma_start3A_647] : memref<1000000x64xf32, #tpu.memory_space<hbm>> -> memref<1x64xf32, #tpu.memory_space<hbm>>
      %dma_start3A_649 = tpu.memref_squeeze %dma_start3A_648 : memref<1x64xf32, #tpu.memory_space<hbm>> -> memref<64xf32, #tpu.memory_space<hbm>>
      %dma_start3A_650 = arith.constant 0 : i32
      %dma_start3A_651 = tpu.memref_slice %arg7[%add3A_643, %dma_start3A_650] : memref<512x64xf32, #tpu.memory_space<vmem>> -> memref<1x64xf32, #tpu.memory_space<vmem>>
      %dma_start3A_652 = tpu.memref_squeeze %dma_start3A_651 : memref<1x64xf32, #tpu.memory_space<vmem>> -> memref<64xf32, #tpu.memory_space<vmem>>
      %dma_start3A_653 = arith.constant 0 : i32
      %dma_start3A_654 = tpu.memref_slice %arg2[%get3A_641, %dma_start3A_653] : memref<1000000x64xf32, #tpu.memory_space<hbm>> -> memref<1x64xf32, #tpu.memory_space<hbm>>
      %dma_start3A_655 = tpu.memref_squeeze %dma_start3A_654 : memref<1x64xf32, #tpu.memory_space<hbm>> -> memref<64xf32, #tpu.memory_space<hbm>>
      tpu.enqueue_dma source(%dma_start3A_655 : memref<64xf32, #tpu.memory_space<hbm>>) target(%dma_start3A_652 : memref<64xf32, #tpu.memory_space<vmem>>) target_semaphore(%arg8 : memref<!tpu.dma_semaphore, #tpu.memory_space<semaphore_mem>>)
      %add3A_656 = arith.constant 11 : i32
      %add3A_657 = arith.addi %mul3A_459, %add3A_656 : i32
      %get3A_658 = arith.index_cast %add3A_657 : i32 to index
      %get3A_659 = memref.load %arg6[%get3A_658] : memref<512xi32, #tpu.memory_space<smem>>
      %add3A_660 = arith.constant 11 : i32
      %add3A_661 = arith.addi %mul3A_459, %add3A_660 : i32
      %dma_start3A_662 = arith.constant 0 : i32
      %dma_start3A_663 = tpu.memref_slice %arg7[%add3A_661, %dma_start3A_662] : memref<512x64xf32, #tpu.memory_space<vmem>> -> memref<1x64xf32, #tpu.memory_space<vmem>>
      %dma_start3A_664 = tpu.memref_squeeze %dma_start3A_663 : memref<1x64xf32, #tpu.memory_space<vmem>> -> memref<64xf32, #tpu.memory_space<vmem>>
      %dma_start3A_665 = arith.constant 0 : i32
      %dma_start3A_666 = tpu.memref_slice %arg2[%get3A_659, %dma_start3A_665] : memref<1000000x64xf32, #tpu.memory_space<hbm>> -> memref<1x64xf32, #tpu.memory_space<hbm>>
      %dma_start3A_667 = tpu.memref_squeeze %dma_start3A_666 : memref<1x64xf32, #tpu.memory_space<hbm>> -> memref<64xf32, #tpu.memory_space<hbm>>
      %dma_start3A_668 = arith.constant 0 : i32
      %dma_start3A_669 = tpu.memref_slice %arg7[%add3A_661, %dma_start3A_668] : memref<512x64xf32, #tpu.memory_space<vmem>> -> memref<1x64xf32, #tpu.memory_space<vmem>>
      %dma_start3A_670 = tpu.memref_squeeze %dma_start3A_669 : memref<1x64xf32, #tpu.memory_space<vmem>> -> memref<64xf32, #tpu.memory_space<vmem>>
      %dma_start3A_671 = arith.constant 0 : i32
      %dma_start3A_672 = tpu.memref_slice %arg2[%get3A_659, %dma_start3A_671] : memref<1000000x64xf32, #tpu.memory_space<hbm>> -> memref<1x64xf32, #tpu.memory_space<hbm>>
      %dma_start3A_673 = tpu.memref_squeeze %dma_start3A_672 : memref<1x64xf32, #tpu.memory_space<hbm>> -> memref<64xf32, #tpu.memory_space<hbm>>
      tpu.enqueue_dma source(%dma_start3A_673 : memref<64xf32, #tpu.memory_space<hbm>>) target(%dma_start3A_670 : memref<64xf32, #tpu.memory_space<vmem>>) target_semaphore(%arg8 : memref<!tpu.dma_semaphore, #tpu.memory_space<semaphore_mem>>)
      %add3A_674 = arith.constant 12 : i32
      %add3A_675 = arith.addi %mul3A_459, %add3A_674 : i32
      %get3A_676 = arith.index_cast %add3A_675 : i32 to index
      %get3A_677 = memref.load %arg6[%get3A_676] : memref<512xi32, #tpu.memory_space<smem>>
      %add3A_678 = arith.constant 12 : i32
      %add3A_679 = arith.addi %mul3A_459, %add3A_678 : i32
      %dma_start3A_680 = arith.constant 0 : i32
      %dma_start3A_681 = tpu.memref_slice %arg7[%add3A_679, %dma_start3A_680] : memref<512x64xf32, #tpu.memory_space<vmem>> -> memref<1x64xf32, #tpu.memory_space<vmem>>
      %dma_start3A_682 = tpu.memref_squeeze %dma_start3A_681 : memref<1x64xf32, #tpu.memory_space<vmem>> -> memref<64xf32, #tpu.memory_space<vmem>>
      %dma_start3A_683 = arith.constant 0 : i32
      %dma_start3A_684 = tpu.memref_slice %arg2[%get3A_677, %dma_start3A_683] : memref<1000000x64xf32, #tpu.memory_space<hbm>> -> memref<1x64xf32, #tpu.memory_space<hbm>>
      %dma_start3A_685 = tpu.memref_squeeze %dma_start3A_684 : memref<1x64xf32, #tpu.memory_space<hbm>> -> memref<64xf32, #tpu.memory_space<hbm>>
      %dma_start3A_686 = arith.constant 0 : i32
      %dma_start3A_687 = tpu.memref_slice %arg7[%add3A_679, %dma_start3A_686] : memref<512x64xf32, #tpu.memory_space<vmem>> -> memref<1x64xf32, #tpu.memory_space<vmem>>
      %dma_start3A_688 = tpu.memref_squeeze %dma_start3A_687 : memref<1x64xf32, #tpu.memory_space<vmem>> -> memref<64xf32, #tpu.memory_space<vmem>>
      %dma_start3A_689 = arith.constant 0 : i32
      %dma_start3A_690 = tpu.memref_slice %arg2[%get3A_677, %dma_start3A_689] : memref<1000000x64xf32, #tpu.memory_space<hbm>> -> memref<1x64xf32, #tpu.memory_space<hbm>>
      %dma_start3A_691 = tpu.memref_squeeze %dma_start3A_690 : memref<1x64xf32, #tpu.memory_space<hbm>> -> memref<64xf32, #tpu.memory_space<hbm>>
      tpu.enqueue_dma source(%dma_start3A_691 : memref<64xf32, #tpu.memory_space<hbm>>) target(%dma_start3A_688 : memref<64xf32, #tpu.memory_space<vmem>>) target_semaphore(%arg8 : memref<!tpu.dma_semaphore, #tpu.memory_space<semaphore_mem>>)
      %add3A_692 = arith.constant 13 : i32
      %add3A_693 = arith.addi %mul3A_459, %add3A_692 : i32
      %get3A_694 = arith.index_cast %add3A_693 : i32 to index
      %get3A_695 = memref.load %arg6[%get3A_694] : memref<512xi32, #tpu.memory_space<smem>>
      %add3A_696 = arith.constant 13 : i32
      %add3A_697 = arith.addi %mul3A_459, %add3A_696 : i32
      %dma_start3A_698 = arith.constant 0 : i32
      %dma_start3A_699 = tpu.memref_slice %arg7[%add3A_697, %dma_start3A_698] : memref<512x64xf32, #tpu.memory_space<vmem>> -> memref<1x64xf32, #tpu.memory_space<vmem>>
      %dma_start3A_700 = tpu.memref_squeeze %dma_start3A_699 : memref<1x64xf32, #tpu.memory_space<vmem>> -> memref<64xf32, #tpu.memory_space<vmem>>
      %dma_start3A_701 = arith.constant 0 : i32
      %dma_start3A_702 = tpu.memref_slice %arg2[%get3A_695, %dma_start3A_701] : memref<1000000x64xf32, #tpu.memory_space<hbm>> -> memref<1x64xf32, #tpu.memory_space<hbm>>
      %dma_start3A_703 = tpu.memref_squeeze %dma_start3A_702 : memref<1x64xf32, #tpu.memory_space<hbm>> -> memref<64xf32, #tpu.memory_space<hbm>>
      %dma_start3A_704 = arith.constant 0 : i32
      %dma_start3A_705 = tpu.memref_slice %arg7[%add3A_697, %dma_start3A_704] : memref<512x64xf32, #tpu.memory_space<vmem>> -> memref<1x64xf32, #tpu.memory_space<vmem>>
      %dma_start3A_706 = tpu.memref_squeeze %dma_start3A_705 : memref<1x64xf32, #tpu.memory_space<vmem>> -> memref<64xf32, #tpu.memory_space<vmem>>
      %dma_start3A_707 = arith.constant 0 : i32
      %dma_start3A_708 = tpu.memref_slice %arg2[%get3A_695, %dma_start3A_707] : memref<1000000x64xf32, #tpu.memory_space<hbm>> -> memref<1x64xf32, #tpu.memory_space<hbm>>
      %dma_start3A_709 = tpu.memref_squeeze %dma_start3A_708 : memref<1x64xf32, #tpu.memory_space<hbm>> -> memref<64xf32, #tpu.memory_space<hbm>>
      tpu.enqueue_dma source(%dma_start3A_709 : memref<64xf32, #tpu.memory_space<hbm>>) target(%dma_start3A_706 : memref<64xf32, #tpu.memory_space<vmem>>) target_semaphore(%arg8 : memref<!tpu.dma_semaphore, #tpu.memory_space<semaphore_mem>>)
      %add3A_710 = arith.constant 14 : i32
      %add3A_711 = arith.addi %mul3A_459, %add3A_710 : i32
      %get3A_712 = arith.index_cast %add3A_711 : i32 to index
      %get3A_713 = memref.load %arg6[%get3A_712] : memref<512xi32, #tpu.memory_space<smem>>
      %add3A_714 = arith.constant 14 : i32
      %add3A_715 = arith.addi %mul3A_459, %add3A_714 : i32
      %dma_start3A_716 = arith.constant 0 : i32
      %dma_start3A_717 = tpu.memref_slice %arg7[%add3A_715, %dma_start3A_716] : memref<512x64xf32, #tpu.memory_space<vmem>> -> memref<1x64xf32, #tpu.memory_space<vmem>>
      %dma_start3A_718 = tpu.memref_squeeze %dma_start3A_717 : memref<1x64xf32, #tpu.memory_space<vmem>> -> memref<64xf32, #tpu.memory_space<vmem>>
      %dma_start3A_719 = arith.constant 0 : i32
      %dma_start3A_720 = tpu.memref_slice %arg2[%get3A_713, %dma_start3A_719] : memref<1000000x64xf32, #tpu.memory_space<hbm>> -> memref<1x64xf32, #tpu.memory_space<hbm>>
      %dma_start3A_721 = tpu.memref_squeeze %dma_start3A_720 : memref<1x64xf32, #tpu.memory_space<hbm>> -> memref<64xf32, #tpu.memory_space<hbm>>
      %dma_start3A_722 = arith.constant 0 : i32
      %dma_start3A_723 = tpu.memref_slice %arg7[%add3A_715, %dma_start3A_722] : memref<512x64xf32, #tpu.memory_space<vmem>> -> memref<1x64xf32, #tpu.memory_space<vmem>>
      %dma_start3A_724 = tpu.memref_squeeze %dma_start3A_723 : memref<1x64xf32, #tpu.memory_space<vmem>> -> memref<64xf32, #tpu.memory_space<vmem>>
      %dma_start3A_725 = arith.constant 0 : i32
      %dma_start3A_726 = tpu.memref_slice %arg2[%get3A_713, %dma_start3A_725] : memref<1000000x64xf32, #tpu.memory_space<hbm>> -> memref<1x64xf32, #tpu.memory_space<hbm>>
      %dma_start3A_727 = tpu.memref_squeeze %dma_start3A_726 : memref<1x64xf32, #tpu.memory_space<hbm>> -> memref<64xf32, #tpu.memory_space<hbm>>
      tpu.enqueue_dma source(%dma_start3A_727 : memref<64xf32, #tpu.memory_space<hbm>>) target(%dma_start3A_724 : memref<64xf32, #tpu.memory_space<vmem>>) target_semaphore(%arg8 : memref<!tpu.dma_semaphore, #tpu.memory_space<semaphore_mem>>)
      %add3A_728 = arith.constant 15 : i32
      %add3A_729 = arith.addi %mul3A_459, %add3A_728 : i32
      %get3A_730 = arith.index_cast %add3A_729 : i32 to index
      %get3A_731 = memref.load %arg6[%get3A_730] : memref<512xi32, #tpu.memory_space<smem>>
      %add3A_732 = arith.constant 15 : i32
      %add3A_733 = arith.addi %mul3A_459, %add3A_732 : i32
      %dma_start3A_734 = arith.constant 0 : i32
      %dma_start3A_735 = tpu.memref_slice %arg7[%add3A_733, %dma_start3A_734] : memref<512x64xf32, #tpu.memory_space<vmem>> -> memref<1x64xf32, #tpu.memory_space<vmem>>
      %dma_start3A_736 = tpu.memref_squeeze %dma_start3A_735 : memref<1x64xf32, #tpu.memory_space<vmem>> -> memref<64xf32, #tpu.memory_space<vmem>>
      %dma_start3A_737 = arith.constant 0 : i32
      %dma_start3A_738 = tpu.memref_slice %arg2[%get3A_731, %dma_start3A_737] : memref<1000000x64xf32, #tpu.memory_space<hbm>> -> memref<1x64xf32, #tpu.memory_space<hbm>>
      %dma_start3A_739 = tpu.memref_squeeze %dma_start3A_738 : memref<1x64xf32, #tpu.memory_space<hbm>> -> memref<64xf32, #tpu.memory_space<hbm>>
      %dma_start3A_740 = arith.constant 0 : i32
      %dma_start3A_741 = tpu.memref_slice %arg7[%add3A_733, %dma_start3A_740] : memref<512x64xf32, #tpu.memory_space<vmem>> -> memref<1x64xf32, #tpu.memory_space<vmem>>
      %dma_start3A_742 = tpu.memref_squeeze %dma_start3A_741 : memref<1x64xf32, #tpu.memory_space<vmem>> -> memref<64xf32, #tpu.memory_space<vmem>>
      %dma_start3A_743 = arith.constant 0 : i32
      %dma_start3A_744 = tpu.memref_slice %arg2[%get3A_731, %dma_start3A_743] : memref<1000000x64xf32, #tpu.memory_space<hbm>> -> memref<1x64xf32, #tpu.memory_space<hbm>>
      %dma_start3A_745 = tpu.memref_squeeze %dma_start3A_744 : memref<1x64xf32, #tpu.memory_space<hbm>> -> memref<64xf32, #tpu.memory_space<hbm>>
      tpu.enqueue_dma source(%dma_start3A_745 : memref<64xf32, #tpu.memory_space<hbm>>) target(%dma_start3A_742 : memref<64xf32, #tpu.memory_space<vmem>>) target_semaphore(%arg8 : memref<!tpu.dma_semaphore, #tpu.memory_space<semaphore_mem>>)
      %gt3A = arith.constant 1 : i32
      %gt3A_746 = arith.cmpi sgt, %scan3A_457, %gt3A : i32
      %convert_element_type3A_747 = arith.extui %gt3A_746 : i1 to i32
      %cond3A_748 = arith.constant 0 : i32
      %cond3A_749 = arith.cmpi ne, %convert_element_type3A_747, %cond3A_748 : i32
      scf.if %cond3A_749 {
        %sub3A = arith.constant 2 : i32
        %sub3A_750 = arith.subi %scan3A_457, %sub3A : i32
        %mul3A_751 = arith.constant 16 : i32
        %mul3A_752 = arith.muli %sub3A_750, %mul3A_751 : i32
        %add3A_753 = arith.constant 0 : i32
        %add3A_754 = arith.addi %mul3A_752, %add3A_753 : i32
        %dma_wait3A_755 = arith.constant 0 : i32
        %dma_wait3A_756 = arith.constant 0 : i32
        %dma_wait3A_757 = tpu.memref_slice %arg7[%add3A_754, %dma_wait3A_756] : memref<512x64xf32, #tpu.memory_space<vmem>> -> memref<1x64xf32, #tpu.memory_space<vmem>>
        %dma_wait3A_758 = tpu.memref_squeeze %dma_wait3A_757 : memref<1x64xf32, #tpu.memory_space<vmem>> -> memref<64xf32, #tpu.memory_space<vmem>>
        %dma_wait3A_759 = arith.constant 0 : i32
        %dma_wait3A_760 = tpu.memref_slice %arg2[%dma_wait3A_755, %dma_wait3A_759] : memref<1000000x64xf32, #tpu.memory_space<hbm>> -> memref<1x64xf32, #tpu.memory_space<hbm>>
        %dma_wait3A_761 = tpu.memref_squeeze %dma_wait3A_760 : memref<1x64xf32, #tpu.memory_space<hbm>> -> memref<64xf32, #tpu.memory_space<hbm>>
        %dma_wait3A_762 = arith.constant 0 : i32
        %dma_wait3A_763 = tpu.memref_slice %arg7[%add3A_754, %dma_wait3A_762] : memref<512x64xf32, #tpu.memory_space<vmem>> -> memref<1x64xf32, #tpu.memory_space<vmem>>
        %dma_wait3A_764 = tpu.memref_squeeze %dma_wait3A_763 : memref<1x64xf32, #tpu.memory_space<vmem>> -> memref<64xf32, #tpu.memory_space<vmem>>
        %dma_wait3A_765 = arith.constant 0 : i32
        %dma_wait3A_766 = tpu.memref_slice %arg2[%dma_wait3A_755, %dma_wait3A_765] : memref<1000000x64xf32, #tpu.memory_space<hbm>> -> memref<1x64xf32, #tpu.memory_space<hbm>>
        %dma_wait3A_767 = tpu.memref_squeeze %dma_wait3A_766 : memref<1x64xf32, #tpu.memory_space<hbm>> -> memref<64xf32, #tpu.memory_space<hbm>>
        tpu.wait_dma2 semaphore(%arg8 : memref<!tpu.dma_semaphore, #tpu.memory_space<semaphore_mem>>) src(%dma_wait3A_767 : memref<64xf32, #tpu.memory_space<hbm>>) dst(%dma_wait3A_764 : memref<64xf32, #tpu.memory_space<vmem>>)
        %add3A_768 = arith.constant 1 : i32
        %add3A_769 = arith.addi %mul3A_752, %add3A_768 : i32
        %dma_wait3A_770 = arith.constant 0 : i32
        %dma_wait3A_771 = arith.constant 0 : i32
        %dma_wait3A_772 = tpu.memref_slice %arg7[%add3A_769, %dma_wait3A_771] : memref<512x64xf32, #tpu.memory_space<vmem>> -> memref<1x64xf32, #tpu.memory_space<vmem>>
        %dma_wait3A_773 = tpu.memref_squeeze %dma_wait3A_772 : memref<1x64xf32, #tpu.memory_space<vmem>> -> memref<64xf32, #tpu.memory_space<vmem>>
        %dma_wait3A_774 = arith.constant 0 : i32
        %dma_wait3A_775 = tpu.memref_slice %arg2[%dma_wait3A_770, %dma_wait3A_774] : memref<1000000x64xf32, #tpu.memory_space<hbm>> -> memref<1x64xf32, #tpu.memory_space<hbm>>
        %dma_wait3A_776 = tpu.memref_squeeze %dma_wait3A_775 : memref<1x64xf32, #tpu.memory_space<hbm>> -> memref<64xf32, #tpu.memory_space<hbm>>
        %dma_wait3A_777 = arith.constant 0 : i32
        %dma_wait3A_778 = tpu.memref_slice %arg7[%add3A_769, %dma_wait3A_777] : memref<512x64xf32, #tpu.memory_space<vmem>> -> memref<1x64xf32, #tpu.memory_space<vmem>>
        %dma_wait3A_779 = tpu.memref_squeeze %dma_wait3A_778 : memref<1x64xf32, #tpu.memory_space<vmem>> -> memref<64xf32, #tpu.memory_space<vmem>>
        %dma_wait3A_780 = arith.constant 0 : i32
        %dma_wait3A_781 = tpu.memref_slice %arg2[%dma_wait3A_770, %dma_wait3A_780] : memref<1000000x64xf32, #tpu.memory_space<hbm>> -> memref<1x64xf32, #tpu.memory_space<hbm>>
        %dma_wait3A_782 = tpu.memref_squeeze %dma_wait3A_781 : memref<1x64xf32, #tpu.memory_space<hbm>> -> memref<64xf32, #tpu.memory_space<hbm>>
        tpu.wait_dma2 semaphore(%arg8 : memref<!tpu.dma_semaphore, #tpu.memory_space<semaphore_mem>>) src(%dma_wait3A_782 : memref<64xf32, #tpu.memory_space<hbm>>) dst(%dma_wait3A_779 : memref<64xf32, #tpu.memory_space<vmem>>)
        %add3A_783 = arith.constant 2 : i32
        %add3A_784 = arith.addi %mul3A_752, %add3A_783 : i32
        %dma_wait3A_785 = arith.constant 0 : i32
        %dma_wait3A_786 = arith.constant 0 : i32
        %dma_wait3A_787 = tpu.memref_slice %arg7[%add3A_784, %dma_wait3A_786] : memref<512x64xf32, #tpu.memory_space<vmem>> -> memref<1x64xf32, #tpu.memory_space<vmem>>
        %dma_wait3A_788 = tpu.memref_squeeze %dma_wait3A_787 : memref<1x64xf32, #tpu.memory_space<vmem>> -> memref<64xf32, #tpu.memory_space<vmem>>
        %dma_wait3A_789 = arith.constant 0 : i32
        %dma_wait3A_790 = tpu.memref_slice %arg2[%dma_wait3A_785, %dma_wait3A_789] : memref<1000000x64xf32, #tpu.memory_space<hbm>> -> memref<1x64xf32, #tpu.memory_space<hbm>>
        %dma_wait3A_791 = tpu.memref_squeeze %dma_wait3A_790 : memref<1x64xf32, #tpu.memory_space<hbm>> -> memref<64xf32, #tpu.memory_space<hbm>>
        %dma_wait3A_792 = arith.constant 0 : i32
        %dma_wait3A_793 = tpu.memref_slice %arg7[%add3A_784, %dma_wait3A_792] : memref<512x64xf32, #tpu.memory_space<vmem>> -> memref<1x64xf32, #tpu.memory_space<vmem>>
        %dma_wait3A_794 = tpu.memref_squeeze %dma_wait3A_793 : memref<1x64xf32, #tpu.memory_space<vmem>> -> memref<64xf32, #tpu.memory_space<vmem>>
        %dma_wait3A_795 = arith.constant 0 : i32
        %dma_wait3A_796 = tpu.memref_slice %arg2[%dma_wait3A_785, %dma_wait3A_795] : memref<1000000x64xf32, #tpu.memory_space<hbm>> -> memref<1x64xf32, #tpu.memory_space<hbm>>
        %dma_wait3A_797 = tpu.memref_squeeze %dma_wait3A_796 : memref<1x64xf32, #tpu.memory_space<hbm>> -> memref<64xf32, #tpu.memory_space<hbm>>
        tpu.wait_dma2 semaphore(%arg8 : memref<!tpu.dma_semaphore, #tpu.memory_space<semaphore_mem>>) src(%dma_wait3A_797 : memref<64xf32, #tpu.memory_space<hbm>>) dst(%dma_wait3A_794 : memref<64xf32, #tpu.memory_space<vmem>>)
        %add3A_798 = arith.constant 3 : i32
        %add3A_799 = arith.addi %mul3A_752, %add3A_798 : i32
        %dma_wait3A_800 = arith.constant 0 : i32
        %dma_wait3A_801 = arith.constant 0 : i32
        %dma_wait3A_802 = tpu.memref_slice %arg7[%add3A_799, %dma_wait3A_801] : memref<512x64xf32, #tpu.memory_space<vmem>> -> memref<1x64xf32, #tpu.memory_space<vmem>>
        %dma_wait3A_803 = tpu.memref_squeeze %dma_wait3A_802 : memref<1x64xf32, #tpu.memory_space<vmem>> -> memref<64xf32, #tpu.memory_space<vmem>>
        %dma_wait3A_804 = arith.constant 0 : i32
        %dma_wait3A_805 = tpu.memref_slice %arg2[%dma_wait3A_800, %dma_wait3A_804] : memref<1000000x64xf32, #tpu.memory_space<hbm>> -> memref<1x64xf32, #tpu.memory_space<hbm>>
        %dma_wait3A_806 = tpu.memref_squeeze %dma_wait3A_805 : memref<1x64xf32, #tpu.memory_space<hbm>> -> memref<64xf32, #tpu.memory_space<hbm>>
        %dma_wait3A_807 = arith.constant 0 : i32
        %dma_wait3A_808 = tpu.memref_slice %arg7[%add3A_799, %dma_wait3A_807] : memref<512x64xf32, #tpu.memory_space<vmem>> -> memref<1x64xf32, #tpu.memory_space<vmem>>
        %dma_wait3A_809 = tpu.memref_squeeze %dma_wait3A_808 : memref<1x64xf32, #tpu.memory_space<vmem>> -> memref<64xf32, #tpu.memory_space<vmem>>
        %dma_wait3A_810 = arith.constant 0 : i32
        %dma_wait3A_811 = tpu.memref_slice %arg2[%dma_wait3A_800, %dma_wait3A_810] : memref<1000000x64xf32, #tpu.memory_space<hbm>> -> memref<1x64xf32, #tpu.memory_space<hbm>>
        %dma_wait3A_812 = tpu.memref_squeeze %dma_wait3A_811 : memref<1x64xf32, #tpu.memory_space<hbm>> -> memref<64xf32, #tpu.memory_space<hbm>>
        tpu.wait_dma2 semaphore(%arg8 : memref<!tpu.dma_semaphore, #tpu.memory_space<semaphore_mem>>) src(%dma_wait3A_812 : memref<64xf32, #tpu.memory_space<hbm>>) dst(%dma_wait3A_809 : memref<64xf32, #tpu.memory_space<vmem>>)
        %add3A_813 = arith.constant 4 : i32
        %add3A_814 = arith.addi %mul3A_752, %add3A_813 : i32
        %dma_wait3A_815 = arith.constant 0 : i32
        %dma_wait3A_816 = arith.constant 0 : i32
        %dma_wait3A_817 = tpu.memref_slice %arg7[%add3A_814, %dma_wait3A_816] : memref<512x64xf32, #tpu.memory_space<vmem>> -> memref<1x64xf32, #tpu.memory_space<vmem>>
        %dma_wait3A_818 = tpu.memref_squeeze %dma_wait3A_817 : memref<1x64xf32, #tpu.memory_space<vmem>> -> memref<64xf32, #tpu.memory_space<vmem>>
        %dma_wait3A_819 = arith.constant 0 : i32
        %dma_wait3A_820 = tpu.memref_slice %arg2[%dma_wait3A_815, %dma_wait3A_819] : memref<1000000x64xf32, #tpu.memory_space<hbm>> -> memref<1x64xf32, #tpu.memory_space<hbm>>
        %dma_wait3A_821 = tpu.memref_squeeze %dma_wait3A_820 : memref<1x64xf32, #tpu.memory_space<hbm>> -> memref<64xf32, #tpu.memory_space<hbm>>
        %dma_wait3A_822 = arith.constant 0 : i32
        %dma_wait3A_823 = tpu.memref_slice %arg7[%add3A_814, %dma_wait3A_822] : memref<512x64xf32, #tpu.memory_space<vmem>> -> memref<1x64xf32, #tpu.memory_space<vmem>>
        %dma_wait3A_824 = tpu.memref_squeeze %dma_wait3A_823 : memref<1x64xf32, #tpu.memory_space<vmem>> -> memref<64xf32, #tpu.memory_space<vmem>>
        %dma_wait3A_825 = arith.constant 0 : i32
        %dma_wait3A_826 = tpu.memref_slice %arg2[%dma_wait3A_815, %dma_wait3A_825] : memref<1000000x64xf32, #tpu.memory_space<hbm>> -> memref<1x64xf32, #tpu.memory_space<hbm>>
        %dma_wait3A_827 = tpu.memref_squeeze %dma_wait3A_826 : memref<1x64xf32, #tpu.memory_space<hbm>> -> memref<64xf32, #tpu.memory_space<hbm>>
        tpu.wait_dma2 semaphore(%arg8 : memref<!tpu.dma_semaphore, #tpu.memory_space<semaphore_mem>>) src(%dma_wait3A_827 : memref<64xf32, #tpu.memory_space<hbm>>) dst(%dma_wait3A_824 : memref<64xf32, #tpu.memory_space<vmem>>)
        %add3A_828 = arith.constant 5 : i32
        %add3A_829 = arith.addi %mul3A_752, %add3A_828 : i32
        %dma_wait3A_830 = arith.constant 0 : i32
        %dma_wait3A_831 = arith.constant 0 : i32
        %dma_wait3A_832 = tpu.memref_slice %arg7[%add3A_829, %dma_wait3A_831] : memref<512x64xf32, #tpu.memory_space<vmem>> -> memref<1x64xf32, #tpu.memory_space<vmem>>
        %dma_wait3A_833 = tpu.memref_squeeze %dma_wait3A_832 : memref<1x64xf32, #tpu.memory_space<vmem>> -> memref<64xf32, #tpu.memory_space<vmem>>
        %dma_wait3A_834 = arith.constant 0 : i32
        %dma_wait3A_835 = tpu.memref_slice %arg2[%dma_wait3A_830, %dma_wait3A_834] : memref<1000000x64xf32, #tpu.memory_space<hbm>> -> memref<1x64xf32, #tpu.memory_space<hbm>>
        %dma_wait3A_836 = tpu.memref_squeeze %dma_wait3A_835 : memref<1x64xf32, #tpu.memory_space<hbm>> -> memref<64xf32, #tpu.memory_space<hbm>>
        %dma_wait3A_837 = arith.constant 0 : i32
        %dma_wait3A_838 = tpu.memref_slice %arg7[%add3A_829, %dma_wait3A_837] : memref<512x64xf32, #tpu.memory_space<vmem>> -> memref<1x64xf32, #tpu.memory_space<vmem>>
        %dma_wait3A_839 = tpu.memref_squeeze %dma_wait3A_838 : memref<1x64xf32, #tpu.memory_space<vmem>> -> memref<64xf32, #tpu.memory_space<vmem>>
        %dma_wait3A_840 = arith.constant 0 : i32
        %dma_wait3A_841 = tpu.memref_slice %arg2[%dma_wait3A_830, %dma_wait3A_840] : memref<1000000x64xf32, #tpu.memory_space<hbm>> -> memref<1x64xf32, #tpu.memory_space<hbm>>
        %dma_wait3A_842 = tpu.memref_squeeze %dma_wait3A_841 : memref<1x64xf32, #tpu.memory_space<hbm>> -> memref<64xf32, #tpu.memory_space<hbm>>
        tpu.wait_dma2 semaphore(%arg8 : memref<!tpu.dma_semaphore, #tpu.memory_space<semaphore_mem>>) src(%dma_wait3A_842 : memref<64xf32, #tpu.memory_space<hbm>>) dst(%dma_wait3A_839 : memref<64xf32, #tpu.memory_space<vmem>>)
        %add3A_843 = arith.constant 6 : i32
        %add3A_844 = arith.addi %mul3A_752, %add3A_843 : i32
        %dma_wait3A_845 = arith.constant 0 : i32
        %dma_wait3A_846 = arith.constant 0 : i32
        %dma_wait3A_847 = tpu.memref_slice %arg7[%add3A_844, %dma_wait3A_846] : memref<512x64xf32, #tpu.memory_space<vmem>> -> memref<1x64xf32, #tpu.memory_space<vmem>>
        %dma_wait3A_848 = tpu.memref_squeeze %dma_wait3A_847 : memref<1x64xf32, #tpu.memory_space<vmem>> -> memref<64xf32, #tpu.memory_space<vmem>>
        %dma_wait3A_849 = arith.constant 0 : i32
        %dma_wait3A_850 = tpu.memref_slice %arg2[%dma_wait3A_845, %dma_wait3A_849] : memref<1000000x64xf32, #tpu.memory_space<hbm>> -> memref<1x64xf32, #tpu.memory_space<hbm>>
        %dma_wait3A_851 = tpu.memref_squeeze %dma_wait3A_850 : memref<1x64xf32, #tpu.memory_space<hbm>> -> memref<64xf32, #tpu.memory_space<hbm>>
        %dma_wait3A_852 = arith.constant 0 : i32
        %dma_wait3A_853 = tpu.memref_slice %arg7[%add3A_844, %dma_wait3A_852] : memref<512x64xf32, #tpu.memory_space<vmem>> -> memref<1x64xf32, #tpu.memory_space<vmem>>
        %dma_wait3A_854 = tpu.memref_squeeze %dma_wait3A_853 : memref<1x64xf32, #tpu.memory_space<vmem>> -> memref<64xf32, #tpu.memory_space<vmem>>
        %dma_wait3A_855 = arith.constant 0 : i32
        %dma_wait3A_856 = tpu.memref_slice %arg2[%dma_wait3A_845, %dma_wait3A_855] : memref<1000000x64xf32, #tpu.memory_space<hbm>> -> memref<1x64xf32, #tpu.memory_space<hbm>>
        %dma_wait3A_857 = tpu.memref_squeeze %dma_wait3A_856 : memref<1x64xf32, #tpu.memory_space<hbm>> -> memref<64xf32, #tpu.memory_space<hbm>>
        tpu.wait_dma2 semaphore(%arg8 : memref<!tpu.dma_semaphore, #tpu.memory_space<semaphore_mem>>) src(%dma_wait3A_857 : memref<64xf32, #tpu.memory_space<hbm>>) dst(%dma_wait3A_854 : memref<64xf32, #tpu.memory_space<vmem>>)
        %add3A_858 = arith.constant 7 : i32
        %add3A_859 = arith.addi %mul3A_752, %add3A_858 : i32
        %dma_wait3A_860 = arith.constant 0 : i32
        %dma_wait3A_861 = arith.constant 0 : i32
        %dma_wait3A_862 = tpu.memref_slice %arg7[%add3A_859, %dma_wait3A_861] : memref<512x64xf32, #tpu.memory_space<vmem>> -> memref<1x64xf32, #tpu.memory_space<vmem>>
        %dma_wait3A_863 = tpu.memref_squeeze %dma_wait3A_862 : memref<1x64xf32, #tpu.memory_space<vmem>> -> memref<64xf32, #tpu.memory_space<vmem>>
        %dma_wait3A_864 = arith.constant 0 : i32
        %dma_wait3A_865 = tpu.memref_slice %arg2[%dma_wait3A_860, %dma_wait3A_864] : memref<1000000x64xf32, #tpu.memory_space<hbm>> -> memref<1x64xf32, #tpu.memory_space<hbm>>
        %dma_wait3A_866 = tpu.memref_squeeze %dma_wait3A_865 : memref<1x64xf32, #tpu.memory_space<hbm>> -> memref<64xf32, #tpu.memory_space<hbm>>
        %dma_wait3A_867 = arith.constant 0 : i32
        %dma_wait3A_868 = tpu.memref_slice %arg7[%add3A_859, %dma_wait3A_867] : memref<512x64xf32, #tpu.memory_space<vmem>> -> memref<1x64xf32, #tpu.memory_space<vmem>>
        %dma_wait3A_869 = tpu.memref_squeeze %dma_wait3A_868 : memref<1x64xf32, #tpu.memory_space<vmem>> -> memref<64xf32, #tpu.memory_space<vmem>>
        %dma_wait3A_870 = arith.constant 0 : i32
        %dma_wait3A_871 = tpu.memref_slice %arg2[%dma_wait3A_860, %dma_wait3A_870] : memref<1000000x64xf32, #tpu.memory_space<hbm>> -> memref<1x64xf32, #tpu.memory_space<hbm>>
        %dma_wait3A_872 = tpu.memref_squeeze %dma_wait3A_871 : memref<1x64xf32, #tpu.memory_space<hbm>> -> memref<64xf32, #tpu.memory_space<hbm>>
        tpu.wait_dma2 semaphore(%arg8 : memref<!tpu.dma_semaphore, #tpu.memory_space<semaphore_mem>>) src(%dma_wait3A_872 : memref<64xf32, #tpu.memory_space<hbm>>) dst(%dma_wait3A_869 : memref<64xf32, #tpu.memory_space<vmem>>)
        %add3A_873 = arith.constant 8 : i32
        %add3A_874 = arith.addi %mul3A_752, %add3A_873 : i32
        %dma_wait3A_875 = arith.constant 0 : i32
        %dma_wait3A_876 = arith.constant 0 : i32
        %dma_wait3A_877 = tpu.memref_slice %arg7[%add3A_874, %dma_wait3A_876] : memref<512x64xf32, #tpu.memory_space<vmem>> -> memref<1x64xf32, #tpu.memory_space<vmem>>
        %dma_wait3A_878 = tpu.memref_squeeze %dma_wait3A_877 : memref<1x64xf32, #tpu.memory_space<vmem>> -> memref<64xf32, #tpu.memory_space<vmem>>
        %dma_wait3A_879 = arith.constant 0 : i32
        %dma_wait3A_880 = tpu.memref_slice %arg2[%dma_wait3A_875, %dma_wait3A_879] : memref<1000000x64xf32, #tpu.memory_space<hbm>> -> memref<1x64xf32, #tpu.memory_space<hbm>>
        %dma_wait3A_881 = tpu.memref_squeeze %dma_wait3A_880 : memref<1x64xf32, #tpu.memory_space<hbm>> -> memref<64xf32, #tpu.memory_space<hbm>>
        %dma_wait3A_882 = arith.constant 0 : i32
        %dma_wait3A_883 = tpu.memref_slice %arg7[%add3A_874, %dma_wait3A_882] : memref<512x64xf32, #tpu.memory_space<vmem>> -> memref<1x64xf32, #tpu.memory_space<vmem>>
        %dma_wait3A_884 = tpu.memref_squeeze %dma_wait3A_883 : memref<1x64xf32, #tpu.memory_space<vmem>> -> memref<64xf32, #tpu.memory_space<vmem>>
        %dma_wait3A_885 = arith.constant 0 : i32
        %dma_wait3A_886 = tpu.memref_slice %arg2[%dma_wait3A_875, %dma_wait3A_885] : memref<1000000x64xf32, #tpu.memory_space<hbm>> -> memref<1x64xf32, #tpu.memory_space<hbm>>
        %dma_wait3A_887 = tpu.memref_squeeze %dma_wait3A_886 : memref<1x64xf32, #tpu.memory_space<hbm>> -> memref<64xf32, #tpu.memory_space<hbm>>
        tpu.wait_dma2 semaphore(%arg8 : memref<!tpu.dma_semaphore, #tpu.memory_space<semaphore_mem>>) src(%dma_wait3A_887 : memref<64xf32, #tpu.memory_space<hbm>>) dst(%dma_wait3A_884 : memref<64xf32, #tpu.memory_space<vmem>>)
        %add3A_888 = arith.constant 9 : i32
        %add3A_889 = arith.addi %mul3A_752, %add3A_888 : i32
        %dma_wait3A_890 = arith.constant 0 : i32
        %dma_wait3A_891 = arith.constant 0 : i32
        %dma_wait3A_892 = tpu.memref_slice %arg7[%add3A_889, %dma_wait3A_891] : memref<512x64xf32, #tpu.memory_space<vmem>> -> memref<1x64xf32, #tpu.memory_space<vmem>>
        %dma_wait3A_893 = tpu.memref_squeeze %dma_wait3A_892 : memref<1x64xf32, #tpu.memory_space<vmem>> -> memref<64xf32, #tpu.memory_space<vmem>>
        %dma_wait3A_894 = arith.constant 0 : i32
        %dma_wait3A_895 = tpu.memref_slice %arg2[%dma_wait3A_890, %dma_wait3A_894] : memref<1000000x64xf32, #tpu.memory_space<hbm>> -> memref<1x64xf32, #tpu.memory_space<hbm>>
        %dma_wait3A_896 = tpu.memref_squeeze %dma_wait3A_895 : memref<1x64xf32, #tpu.memory_space<hbm>> -> memref<64xf32, #tpu.memory_space<hbm>>
        %dma_wait3A_897 = arith.constant 0 : i32
        %dma_wait3A_898 = tpu.memref_slice %arg7[%add3A_889, %dma_wait3A_897] : memref<512x64xf32, #tpu.memory_space<vmem>> -> memref<1x64xf32, #tpu.memory_space<vmem>>
        %dma_wait3A_899 = tpu.memref_squeeze %dma_wait3A_898 : memref<1x64xf32, #tpu.memory_space<vmem>> -> memref<64xf32, #tpu.memory_space<vmem>>
        %dma_wait3A_900 = arith.constant 0 : i32
        %dma_wait3A_901 = tpu.memref_slice %arg2[%dma_wait3A_890, %dma_wait3A_900] : memref<1000000x64xf32, #tpu.memory_space<hbm>> -> memref<1x64xf32, #tpu.memory_space<hbm>>
        %dma_wait3A_902 = tpu.memref_squeeze %dma_wait3A_901 : memref<1x64xf32, #tpu.memory_space<hbm>> -> memref<64xf32, #tpu.memory_space<hbm>>
        tpu.wait_dma2 semaphore(%arg8 : memref<!tpu.dma_semaphore, #tpu.memory_space<semaphore_mem>>) src(%dma_wait3A_902 : memref<64xf32, #tpu.memory_space<hbm>>) dst(%dma_wait3A_899 : memref<64xf32, #tpu.memory_space<vmem>>)
        %add3A_903 = arith.constant 10 : i32
        %add3A_904 = arith.addi %mul3A_752, %add3A_903 : i32
        %dma_wait3A_905 = arith.constant 0 : i32
        %dma_wait3A_906 = arith.constant 0 : i32
        %dma_wait3A_907 = tpu.memref_slice %arg7[%add3A_904, %dma_wait3A_906] : memref<512x64xf32, #tpu.memory_space<vmem>> -> memref<1x64xf32, #tpu.memory_space<vmem>>
        %dma_wait3A_908 = tpu.memref_squeeze %dma_wait3A_907 : memref<1x64xf32, #tpu.memory_space<vmem>> -> memref<64xf32, #tpu.memory_space<vmem>>
        %dma_wait3A_909 = arith.constant 0 : i32
        %dma_wait3A_910 = tpu.memref_slice %arg2[%dma_wait3A_905, %dma_wait3A_909] : memref<1000000x64xf32, #tpu.memory_space<hbm>> -> memref<1x64xf32, #tpu.memory_space<hbm>>
        %dma_wait3A_911 = tpu.memref_squeeze %dma_wait3A_910 : memref<1x64xf32, #tpu.memory_space<hbm>> -> memref<64xf32, #tpu.memory_space<hbm>>
        %dma_wait3A_912 = arith.constant 0 : i32
        %dma_wait3A_913 = tpu.memref_slice %arg7[%add3A_904, %dma_wait3A_912] : memref<512x64xf32, #tpu.memory_space<vmem>> -> memref<1x64xf32, #tpu.memory_space<vmem>>
        %dma_wait3A_914 = tpu.memref_squeeze %dma_wait3A_913 : memref<1x64xf32, #tpu.memory_space<vmem>> -> memref<64xf32, #tpu.memory_space<vmem>>
        %dma_wait3A_915 = arith.constant 0 : i32
        %dma_wait3A_916 = tpu.memref_slice %arg2[%dma_wait3A_905, %dma_wait3A_915] : memref<1000000x64xf32, #tpu.memory_space<hbm>> -> memref<1x64xf32, #tpu.memory_space<hbm>>
        %dma_wait3A_917 = tpu.memref_squeeze %dma_wait3A_916 : memref<1x64xf32, #tpu.memory_space<hbm>> -> memref<64xf32, #tpu.memory_space<hbm>>
        tpu.wait_dma2 semaphore(%arg8 : memref<!tpu.dma_semaphore, #tpu.memory_space<semaphore_mem>>) src(%dma_wait3A_917 : memref<64xf32, #tpu.memory_space<hbm>>) dst(%dma_wait3A_914 : memref<64xf32, #tpu.memory_space<vmem>>)
        %add3A_918 = arith.constant 11 : i32
        %add3A_919 = arith.addi %mul3A_752, %add3A_918 : i32
        %dma_wait3A_920 = arith.constant 0 : i32
        %dma_wait3A_921 = arith.constant 0 : i32
        %dma_wait3A_922 = tpu.memref_slice %arg7[%add3A_919, %dma_wait3A_921] : memref<512x64xf32, #tpu.memory_space<vmem>> -> memref<1x64xf32, #tpu.memory_space<vmem>>
        %dma_wait3A_923 = tpu.memref_squeeze %dma_wait3A_922 : memref<1x64xf32, #tpu.memory_space<vmem>> -> memref<64xf32, #tpu.memory_space<vmem>>
        %dma_wait3A_924 = arith.constant 0 : i32
        %dma_wait3A_925 = tpu.memref_slice %arg2[%dma_wait3A_920, %dma_wait3A_924] : memref<1000000x64xf32, #tpu.memory_space<hbm>> -> memref<1x64xf32, #tpu.memory_space<hbm>>
        %dma_wait3A_926 = tpu.memref_squeeze %dma_wait3A_925 : memref<1x64xf32, #tpu.memory_space<hbm>> -> memref<64xf32, #tpu.memory_space<hbm>>
        %dma_wait3A_927 = arith.constant 0 : i32
        %dma_wait3A_928 = tpu.memref_slice %arg7[%add3A_919, %dma_wait3A_927] : memref<512x64xf32, #tpu.memory_space<vmem>> -> memref<1x64xf32, #tpu.memory_space<vmem>>
        %dma_wait3A_929 = tpu.memref_squeeze %dma_wait3A_928 : memref<1x64xf32, #tpu.memory_space<vmem>> -> memref<64xf32, #tpu.memory_space<vmem>>
        %dma_wait3A_930 = arith.constant 0 : i32
        %dma_wait3A_931 = tpu.memref_slice %arg2[%dma_wait3A_920, %dma_wait3A_930] : memref<1000000x64xf32, #tpu.memory_space<hbm>> -> memref<1x64xf32, #tpu.memory_space<hbm>>
        %dma_wait3A_932 = tpu.memref_squeeze %dma_wait3A_931 : memref<1x64xf32, #tpu.memory_space<hbm>> -> memref<64xf32, #tpu.memory_space<hbm>>
        tpu.wait_dma2 semaphore(%arg8 : memref<!tpu.dma_semaphore, #tpu.memory_space<semaphore_mem>>) src(%dma_wait3A_932 : memref<64xf32, #tpu.memory_space<hbm>>) dst(%dma_wait3A_929 : memref<64xf32, #tpu.memory_space<vmem>>)
        %add3A_933 = arith.constant 12 : i32
        %add3A_934 = arith.addi %mul3A_752, %add3A_933 : i32
        %dma_wait3A_935 = arith.constant 0 : i32
        %dma_wait3A_936 = arith.constant 0 : i32
        %dma_wait3A_937 = tpu.memref_slice %arg7[%add3A_934, %dma_wait3A_936] : memref<512x64xf32, #tpu.memory_space<vmem>> -> memref<1x64xf32, #tpu.memory_space<vmem>>
        %dma_wait3A_938 = tpu.memref_squeeze %dma_wait3A_937 : memref<1x64xf32, #tpu.memory_space<vmem>> -> memref<64xf32, #tpu.memory_space<vmem>>
        %dma_wait3A_939 = arith.constant 0 : i32
        %dma_wait3A_940 = tpu.memref_slice %arg2[%dma_wait3A_935, %dma_wait3A_939] : memref<1000000x64xf32, #tpu.memory_space<hbm>> -> memref<1x64xf32, #tpu.memory_space<hbm>>
        %dma_wait3A_941 = tpu.memref_squeeze %dma_wait3A_940 : memref<1x64xf32, #tpu.memory_space<hbm>> -> memref<64xf32, #tpu.memory_space<hbm>>
        %dma_wait3A_942 = arith.constant 0 : i32
        %dma_wait3A_943 = tpu.memref_slice %arg7[%add3A_934, %dma_wait3A_942] : memref<512x64xf32, #tpu.memory_space<vmem>> -> memref<1x64xf32, #tpu.memory_space<vmem>>
        %dma_wait3A_944 = tpu.memref_squeeze %dma_wait3A_943 : memref<1x64xf32, #tpu.memory_space<vmem>> -> memref<64xf32, #tpu.memory_space<vmem>>
        %dma_wait3A_945 = arith.constant 0 : i32
        %dma_wait3A_946 = tpu.memref_slice %arg2[%dma_wait3A_935, %dma_wait3A_945] : memref<1000000x64xf32, #tpu.memory_space<hbm>> -> memref<1x64xf32, #tpu.memory_space<hbm>>
        %dma_wait3A_947 = tpu.memref_squeeze %dma_wait3A_946 : memref<1x64xf32, #tpu.memory_space<hbm>> -> memref<64xf32, #tpu.memory_space<hbm>>
        tpu.wait_dma2 semaphore(%arg8 : memref<!tpu.dma_semaphore, #tpu.memory_space<semaphore_mem>>) src(%dma_wait3A_947 : memref<64xf32, #tpu.memory_space<hbm>>) dst(%dma_wait3A_944 : memref<64xf32, #tpu.memory_space<vmem>>)
        %add3A_948 = arith.constant 13 : i32
        %add3A_949 = arith.addi %mul3A_752, %add3A_948 : i32
        %dma_wait3A_950 = arith.constant 0 : i32
        %dma_wait3A_951 = arith.constant 0 : i32
        %dma_wait3A_952 = tpu.memref_slice %arg7[%add3A_949, %dma_wait3A_951] : memref<512x64xf32, #tpu.memory_space<vmem>> -> memref<1x64xf32, #tpu.memory_space<vmem>>
        %dma_wait3A_953 = tpu.memref_squeeze %dma_wait3A_952 : memref<1x64xf32, #tpu.memory_space<vmem>> -> memref<64xf32, #tpu.memory_space<vmem>>
        %dma_wait3A_954 = arith.constant 0 : i32
        %dma_wait3A_955 = tpu.memref_slice %arg2[%dma_wait3A_950, %dma_wait3A_954] : memref<1000000x64xf32, #tpu.memory_space<hbm>> -> memref<1x64xf32, #tpu.memory_space<hbm>>
        %dma_wait3A_956 = tpu.memref_squeeze %dma_wait3A_955 : memref<1x64xf32, #tpu.memory_space<hbm>> -> memref<64xf32, #tpu.memory_space<hbm>>
        %dma_wait3A_957 = arith.constant 0 : i32
        %dma_wait3A_958 = tpu.memref_slice %arg7[%add3A_949, %dma_wait3A_957] : memref<512x64xf32, #tpu.memory_space<vmem>> -> memref<1x64xf32, #tpu.memory_space<vmem>>
        %dma_wait3A_959 = tpu.memref_squeeze %dma_wait3A_958 : memref<1x64xf32, #tpu.memory_space<vmem>> -> memref<64xf32, #tpu.memory_space<vmem>>
        %dma_wait3A_960 = arith.constant 0 : i32
        %dma_wait3A_961 = tpu.memref_slice %arg2[%dma_wait3A_950, %dma_wait3A_960] : memref<1000000x64xf32, #tpu.memory_space<hbm>> -> memref<1x64xf32, #tpu.memory_space<hbm>>
        %dma_wait3A_962 = tpu.memref_squeeze %dma_wait3A_961 : memref<1x64xf32, #tpu.memory_space<hbm>> -> memref<64xf32, #tpu.memory_space<hbm>>
        tpu.wait_dma2 semaphore(%arg8 : memref<!tpu.dma_semaphore, #tpu.memory_space<semaphore_mem>>) src(%dma_wait3A_962 : memref<64xf32, #tpu.memory_space<hbm>>) dst(%dma_wait3A_959 : memref<64xf32, #tpu.memory_space<vmem>>)
        %add3A_963 = arith.constant 14 : i32
        %add3A_964 = arith.addi %mul3A_752, %add3A_963 : i32
        %dma_wait3A_965 = arith.constant 0 : i32
        %dma_wait3A_966 = arith.constant 0 : i32
        %dma_wait3A_967 = tpu.memref_slice %arg7[%add3A_964, %dma_wait3A_966] : memref<512x64xf32, #tpu.memory_space<vmem>> -> memref<1x64xf32, #tpu.memory_space<vmem>>
        %dma_wait3A_968 = tpu.memref_squeeze %dma_wait3A_967 : memref<1x64xf32, #tpu.memory_space<vmem>> -> memref<64xf32, #tpu.memory_space<vmem>>
        %dma_wait3A_969 = arith.constant 0 : i32
        %dma_wait3A_970 = tpu.memref_slice %arg2[%dma_wait3A_965, %dma_wait3A_969] : memref<1000000x64xf32, #tpu.memory_space<hbm>> -> memref<1x64xf32, #tpu.memory_space<hbm>>
        %dma_wait3A_971 = tpu.memref_squeeze %dma_wait3A_970 : memref<1x64xf32, #tpu.memory_space<hbm>> -> memref<64xf32, #tpu.memory_space<hbm>>
        %dma_wait3A_972 = arith.constant 0 : i32
        %dma_wait3A_973 = tpu.memref_slice %arg7[%add3A_964, %dma_wait3A_972] : memref<512x64xf32, #tpu.memory_space<vmem>> -> memref<1x64xf32, #tpu.memory_space<vmem>>
        %dma_wait3A_974 = tpu.memref_squeeze %dma_wait3A_973 : memref<1x64xf32, #tpu.memory_space<vmem>> -> memref<64xf32, #tpu.memory_space<vmem>>
        %dma_wait3A_975 = arith.constant 0 : i32
        %dma_wait3A_976 = tpu.memref_slice %arg2[%dma_wait3A_965, %dma_wait3A_975] : memref<1000000x64xf32, #tpu.memory_space<hbm>> -> memref<1x64xf32, #tpu.memory_space<hbm>>
        %dma_wait3A_977 = tpu.memref_squeeze %dma_wait3A_976 : memref<1x64xf32, #tpu.memory_space<hbm>> -> memref<64xf32, #tpu.memory_space<hbm>>
        tpu.wait_dma2 semaphore(%arg8 : memref<!tpu.dma_semaphore, #tpu.memory_space<semaphore_mem>>) src(%dma_wait3A_977 : memref<64xf32, #tpu.memory_space<hbm>>) dst(%dma_wait3A_974 : memref<64xf32, #tpu.memory_space<vmem>>)
        %add3A_978 = arith.constant 15 : i32
        %add3A_979 = arith.addi %mul3A_752, %add3A_978 : i32
        %dma_wait3A_980 = arith.constant 0 : i32
        %dma_wait3A_981 = arith.constant 0 : i32
        %dma_wait3A_982 = tpu.memref_slice %arg7[%add3A_979, %dma_wait3A_981] : memref<512x64xf32, #tpu.memory_space<vmem>> -> memref<1x64xf32, #tpu.memory_space<vmem>>
        %dma_wait3A_983 = tpu.memref_squeeze %dma_wait3A_982 : memref<1x64xf32, #tpu.memory_space<vmem>> -> memref<64xf32, #tpu.memory_space<vmem>>
        %dma_wait3A_984 = arith.constant 0 : i32
        %dma_wait3A_985 = tpu.memref_slice %arg2[%dma_wait3A_980, %dma_wait3A_984] : memref<1000000x64xf32, #tpu.memory_space<hbm>> -> memref<1x64xf32, #tpu.memory_space<hbm>>
        %dma_wait3A_986 = tpu.memref_squeeze %dma_wait3A_985 : memref<1x64xf32, #tpu.memory_space<hbm>> -> memref<64xf32, #tpu.memory_space<hbm>>
        %dma_wait3A_987 = arith.constant 0 : i32
        %dma_wait3A_988 = tpu.memref_slice %arg7[%add3A_979, %dma_wait3A_987] : memref<512x64xf32, #tpu.memory_space<vmem>> -> memref<1x64xf32, #tpu.memory_space<vmem>>
        %dma_wait3A_989 = tpu.memref_squeeze %dma_wait3A_988 : memref<1x64xf32, #tpu.memory_space<vmem>> -> memref<64xf32, #tpu.memory_space<vmem>>
        %dma_wait3A_990 = arith.constant 0 : i32
        %dma_wait3A_991 = tpu.memref_slice %arg2[%dma_wait3A_980, %dma_wait3A_990] : memref<1000000x64xf32, #tpu.memory_space<hbm>> -> memref<1x64xf32, #tpu.memory_space<hbm>>
        %dma_wait3A_992 = tpu.memref_squeeze %dma_wait3A_991 : memref<1x64xf32, #tpu.memory_space<hbm>> -> memref<64xf32, #tpu.memory_space<hbm>>
        tpu.wait_dma2 semaphore(%arg8 : memref<!tpu.dma_semaphore, #tpu.memory_space<semaphore_mem>>) src(%dma_wait3A_992 : memref<64xf32, #tpu.memory_space<hbm>>) dst(%dma_wait3A_989 : memref<64xf32, #tpu.memory_space<vmem>>)
      } else {
      }
    }
    %scan3A_9 = arith.constant 32 : i32
    %dma_wait3A = arith.constant 0 : i32
    %dma_wait3A_10 = arith.constant 480 : i32
    %dma_wait3A_11 = arith.constant 0 : i32
    %dma_wait3A_12 = tpu.memref_slice %arg7[%dma_wait3A_10, %dma_wait3A_11] : memref<512x64xf32, #tpu.memory_space<vmem>> -> memref<1x64xf32, #tpu.memory_space<vmem>>
    %dma_wait3A_13 = tpu.memref_squeeze %dma_wait3A_12 : memref<1x64xf32, #tpu.memory_space<vmem>> -> memref<64xf32, #tpu.memory_space<vmem>>
    %dma_wait3A_14 = arith.constant 0 : i32
    %dma_wait3A_15 = tpu.memref_slice %arg2[%dma_wait3A, %dma_wait3A_14] : memref<1000000x64xf32, #tpu.memory_space<hbm>> -> memref<1x64xf32, #tpu.memory_space<hbm>>
    %dma_wait3A_16 = tpu.memref_squeeze %dma_wait3A_15 : memref<1x64xf32, #tpu.memory_space<hbm>> -> memref<64xf32, #tpu.memory_space<hbm>>
    %dma_wait3A_17 = arith.constant 0 : i32
    %dma_wait3A_18 = tpu.memref_slice %arg7[%dma_wait3A_10, %dma_wait3A_17] : memref<512x64xf32, #tpu.memory_space<vmem>> -> memref<1x64xf32, #tpu.memory_space<vmem>>
    %dma_wait3A_19 = tpu.memref_squeeze %dma_wait3A_18 : memref<1x64xf32, #tpu.memory_space<vmem>> -> memref<64xf32, #tpu.memory_space<vmem>>
    %dma_wait3A_20 = arith.constant 0 : i32
    %dma_wait3A_21 = tpu.memref_slice %arg2[%dma_wait3A, %dma_wait3A_20] : memref<1000000x64xf32, #tpu.memory_space<hbm>> -> memref<1x64xf32, #tpu.memory_space<hbm>>
    %dma_wait3A_22 = tpu.memref_squeeze %dma_wait3A_21 : memref<1x64xf32, #tpu.memory_space<hbm>> -> memref<64xf32, #tpu.memory_space<hbm>>
    tpu.wait_dma2 semaphore(%arg8 : memref<!tpu.dma_semaphore, #tpu.memory_space<semaphore_mem>>) src(%dma_wait3A_22 : memref<64xf32, #tpu.memory_space<hbm>>) dst(%dma_wait3A_19 : memref<64xf32, #tpu.memory_space<vmem>>)
    %dma_wait3A_23 = arith.constant 0 : i32
    %dma_wait3A_24 = arith.constant 481 : i32
    %dma_wait3A_25 = arith.constant 0 : i32
    %dma_wait3A_26 = tpu.memref_slice %arg7[%dma_wait3A_24, %dma_wait3A_25] : memref<512x64xf32, #tpu.memory_space<vmem>> -> memref<1x64xf32, #tpu.memory_space<vmem>>
    %dma_wait3A_27 = tpu.memref_squeeze %dma_wait3A_26 : memref<1x64xf32, #tpu.memory_space<vmem>> -> memref<64xf32, #tpu.memory_space<vmem>>
    %dma_wait3A_28 = arith.constant 0 : i32
    %dma_wait3A_29 = tpu.memref_slice %arg2[%dma_wait3A_23, %dma_wait3A_28] : memref<1000000x64xf32, #tpu.memory_space<hbm>> -> memref<1x64xf32, #tpu.memory_space<hbm>>
    %dma_wait3A_30 = tpu.memref_squeeze %dma_wait3A_29 : memref<1x64xf32, #tpu.memory_space<hbm>> -> memref<64xf32, #tpu.memory_space<hbm>>
    %dma_wait3A_31 = arith.constant 0 : i32
    %dma_wait3A_32 = tpu.memref_slice %arg7[%dma_wait3A_24, %dma_wait3A_31] : memref<512x64xf32, #tpu.memory_space<vmem>> -> memref<1x64xf32, #tpu.memory_space<vmem>>
    %dma_wait3A_33 = tpu.memref_squeeze %dma_wait3A_32 : memref<1x64xf32, #tpu.memory_space<vmem>> -> memref<64xf32, #tpu.memory_space<vmem>>
    %dma_wait3A_34 = arith.constant 0 : i32
    %dma_wait3A_35 = tpu.memref_slice %arg2[%dma_wait3A_23, %dma_wait3A_34] : memref<1000000x64xf32, #tpu.memory_space<hbm>> -> memref<1x64xf32, #tpu.memory_space<hbm>>
    %dma_wait3A_36 = tpu.memref_squeeze %dma_wait3A_35 : memref<1x64xf32, #tpu.memory_space<hbm>> -> memref<64xf32, #tpu.memory_space<hbm>>
    tpu.wait_dma2 semaphore(%arg8 : memref<!tpu.dma_semaphore, #tpu.memory_space<semaphore_mem>>) src(%dma_wait3A_36 : memref<64xf32, #tpu.memory_space<hbm>>) dst(%dma_wait3A_33 : memref<64xf32, #tpu.memory_space<vmem>>)
    %dma_wait3A_37 = arith.constant 0 : i32
    %dma_wait3A_38 = arith.constant 482 : i32
    %dma_wait3A_39 = arith.constant 0 : i32
    %dma_wait3A_40 = tpu.memref_slice %arg7[%dma_wait3A_38, %dma_wait3A_39] : memref<512x64xf32, #tpu.memory_space<vmem>> -> memref<1x64xf32, #tpu.memory_space<vmem>>
    %dma_wait3A_41 = tpu.memref_squeeze %dma_wait3A_40 : memref<1x64xf32, #tpu.memory_space<vmem>> -> memref<64xf32, #tpu.memory_space<vmem>>
    %dma_wait3A_42 = arith.constant 0 : i32
    %dma_wait3A_43 = tpu.memref_slice %arg2[%dma_wait3A_37, %dma_wait3A_42] : memref<1000000x64xf32, #tpu.memory_space<hbm>> -> memref<1x64xf32, #tpu.memory_space<hbm>>
    %dma_wait3A_44 = tpu.memref_squeeze %dma_wait3A_43 : memref<1x64xf32, #tpu.memory_space<hbm>> -> memref<64xf32, #tpu.memory_space<hbm>>
    %dma_wait3A_45 = arith.constant 0 : i32
    %dma_wait3A_46 = tpu.memref_slice %arg7[%dma_wait3A_38, %dma_wait3A_45] : memref<512x64xf32, #tpu.memory_space<vmem>> -> memref<1x64xf32, #tpu.memory_space<vmem>>
    %dma_wait3A_47 = tpu.memref_squeeze %dma_wait3A_46 : memref<1x64xf32, #tpu.memory_space<vmem>> -> memref<64xf32, #tpu.memory_space<vmem>>
    %dma_wait3A_48 = arith.constant 0 : i32
    %dma_wait3A_49 = tpu.memref_slice %arg2[%dma_wait3A_37, %dma_wait3A_48] : memref<1000000x64xf32, #tpu.memory_space<hbm>> -> memref<1x64xf32, #tpu.memory_space<hbm>>
    %dma_wait3A_50 = tpu.memref_squeeze %dma_wait3A_49 : memref<1x64xf32, #tpu.memory_space<hbm>> -> memref<64xf32, #tpu.memory_space<hbm>>
    tpu.wait_dma2 semaphore(%arg8 : memref<!tpu.dma_semaphore, #tpu.memory_space<semaphore_mem>>) src(%dma_wait3A_50 : memref<64xf32, #tpu.memory_space<hbm>>) dst(%dma_wait3A_47 : memref<64xf32, #tpu.memory_space<vmem>>)
    %dma_wait3A_51 = arith.constant 0 : i32
    %dma_wait3A_52 = arith.constant 483 : i32
    %dma_wait3A_53 = arith.constant 0 : i32
    %dma_wait3A_54 = tpu.memref_slice %arg7[%dma_wait3A_52, %dma_wait3A_53] : memref<512x64xf32, #tpu.memory_space<vmem>> -> memref<1x64xf32, #tpu.memory_space<vmem>>
    %dma_wait3A_55 = tpu.memref_squeeze %dma_wait3A_54 : memref<1x64xf32, #tpu.memory_space<vmem>> -> memref<64xf32, #tpu.memory_space<vmem>>
    %dma_wait3A_56 = arith.constant 0 : i32
    %dma_wait3A_57 = tpu.memref_slice %arg2[%dma_wait3A_51, %dma_wait3A_56] : memref<1000000x64xf32, #tpu.memory_space<hbm>> -> memref<1x64xf32, #tpu.memory_space<hbm>>
    %dma_wait3A_58 = tpu.memref_squeeze %dma_wait3A_57 : memref<1x64xf32, #tpu.memory_space<hbm>> -> memref<64xf32, #tpu.memory_space<hbm>>
    %dma_wait3A_59 = arith.constant 0 : i32
    %dma_wait3A_60 = tpu.memref_slice %arg7[%dma_wait3A_52, %dma_wait3A_59] : memref<512x64xf32, #tpu.memory_space<vmem>> -> memref<1x64xf32, #tpu.memory_space<vmem>>
    %dma_wait3A_61 = tpu.memref_squeeze %dma_wait3A_60 : memref<1x64xf32, #tpu.memory_space<vmem>> -> memref<64xf32, #tpu.memory_space<vmem>>
    %dma_wait3A_62 = arith.constant 0 : i32
    %dma_wait3A_63 = tpu.memref_slice %arg2[%dma_wait3A_51, %dma_wait3A_62] : memref<1000000x64xf32, #tpu.memory_space<hbm>> -> memref<1x64xf32, #tpu.memory_space<hbm>>
    %dma_wait3A_64 = tpu.memref_squeeze %dma_wait3A_63 : memref<1x64xf32, #tpu.memory_space<hbm>> -> memref<64xf32, #tpu.memory_space<hbm>>
    tpu.wait_dma2 semaphore(%arg8 : memref<!tpu.dma_semaphore, #tpu.memory_space<semaphore_mem>>) src(%dma_wait3A_64 : memref<64xf32, #tpu.memory_space<hbm>>) dst(%dma_wait3A_61 : memref<64xf32, #tpu.memory_space<vmem>>)
    %dma_wait3A_65 = arith.constant 0 : i32
    %dma_wait3A_66 = arith.constant 484 : i32
    %dma_wait3A_67 = arith.constant 0 : i32
    %dma_wait3A_68 = tpu.memref_slice %arg7[%dma_wait3A_66, %dma_wait3A_67] : memref<512x64xf32, #tpu.memory_space<vmem>> -> memref<1x64xf32, #tpu.memory_space<vmem>>
    %dma_wait3A_69 = tpu.memref_squeeze %dma_wait3A_68 : memref<1x64xf32, #tpu.memory_space<vmem>> -> memref<64xf32, #tpu.memory_space<vmem>>
    %dma_wait3A_70 = arith.constant 0 : i32
    %dma_wait3A_71 = tpu.memref_slice %arg2[%dma_wait3A_65, %dma_wait3A_70] : memref<1000000x64xf32, #tpu.memory_space<hbm>> -> memref<1x64xf32, #tpu.memory_space<hbm>>
    %dma_wait3A_72 = tpu.memref_squeeze %dma_wait3A_71 : memref<1x64xf32, #tpu.memory_space<hbm>> -> memref<64xf32, #tpu.memory_space<hbm>>
    %dma_wait3A_73 = arith.constant 0 : i32
    %dma_wait3A_74 = tpu.memref_slice %arg7[%dma_wait3A_66, %dma_wait3A_73] : memref<512x64xf32, #tpu.memory_space<vmem>> -> memref<1x64xf32, #tpu.memory_space<vmem>>
    %dma_wait3A_75 = tpu.memref_squeeze %dma_wait3A_74 : memref<1x64xf32, #tpu.memory_space<vmem>> -> memref<64xf32, #tpu.memory_space<vmem>>
    %dma_wait3A_76 = arith.constant 0 : i32
    %dma_wait3A_77 = tpu.memref_slice %arg2[%dma_wait3A_65, %dma_wait3A_76] : memref<1000000x64xf32, #tpu.memory_space<hbm>> -> memref<1x64xf32, #tpu.memory_space<hbm>>
    %dma_wait3A_78 = tpu.memref_squeeze %dma_wait3A_77 : memref<1x64xf32, #tpu.memory_space<hbm>> -> memref<64xf32, #tpu.memory_space<hbm>>
    tpu.wait_dma2 semaphore(%arg8 : memref<!tpu.dma_semaphore, #tpu.memory_space<semaphore_mem>>) src(%dma_wait3A_78 : memref<64xf32, #tpu.memory_space<hbm>>) dst(%dma_wait3A_75 : memref<64xf32, #tpu.memory_space<vmem>>)
    %dma_wait3A_79 = arith.constant 0 : i32
    %dma_wait3A_80 = arith.constant 485 : i32
    %dma_wait3A_81 = arith.constant 0 : i32
    %dma_wait3A_82 = tpu.memref_slice %arg7[%dma_wait3A_80, %dma_wait3A_81] : memref<512x64xf32, #tpu.memory_space<vmem>> -> memref<1x64xf32, #tpu.memory_space<vmem>>
    %dma_wait3A_83 = tpu.memref_squeeze %dma_wait3A_82 : memref<1x64xf32, #tpu.memory_space<vmem>> -> memref<64xf32, #tpu.memory_space<vmem>>
    %dma_wait3A_84 = arith.constant 0 : i32
    %dma_wait3A_85 = tpu.memref_slice %arg2[%dma_wait3A_79, %dma_wait3A_84] : memref<1000000x64xf32, #tpu.memory_space<hbm>> -> memref<1x64xf32, #tpu.memory_space<hbm>>
    %dma_wait3A_86 = tpu.memref_squeeze %dma_wait3A_85 : memref<1x64xf32, #tpu.memory_space<hbm>> -> memref<64xf32, #tpu.memory_space<hbm>>
    %dma_wait3A_87 = arith.constant 0 : i32
    %dma_wait3A_88 = tpu.memref_slice %arg7[%dma_wait3A_80, %dma_wait3A_87] : memref<512x64xf32, #tpu.memory_space<vmem>> -> memref<1x64xf32, #tpu.memory_space<vmem>>
    %dma_wait3A_89 = tpu.memref_squeeze %dma_wait3A_88 : memref<1x64xf32, #tpu.memory_space<vmem>> -> memref<64xf32, #tpu.memory_space<vmem>>
    %dma_wait3A_90 = arith.constant 0 : i32
    %dma_wait3A_91 = tpu.memref_slice %arg2[%dma_wait3A_79, %dma_wait3A_90] : memref<1000000x64xf32, #tpu.memory_space<hbm>> -> memref<1x64xf32, #tpu.memory_space<hbm>>
    %dma_wait3A_92 = tpu.memref_squeeze %dma_wait3A_91 : memref<1x64xf32, #tpu.memory_space<hbm>> -> memref<64xf32, #tpu.memory_space<hbm>>
    tpu.wait_dma2 semaphore(%arg8 : memref<!tpu.dma_semaphore, #tpu.memory_space<semaphore_mem>>) src(%dma_wait3A_92 : memref<64xf32, #tpu.memory_space<hbm>>) dst(%dma_wait3A_89 : memref<64xf32, #tpu.memory_space<vmem>>)
    %dma_wait3A_93 = arith.constant 0 : i32
    %dma_wait3A_94 = arith.constant 486 : i32
    %dma_wait3A_95 = arith.constant 0 : i32
    %dma_wait3A_96 = tpu.memref_slice %arg7[%dma_wait3A_94, %dma_wait3A_95] : memref<512x64xf32, #tpu.memory_space<vmem>> -> memref<1x64xf32, #tpu.memory_space<vmem>>
    %dma_wait3A_97 = tpu.memref_squeeze %dma_wait3A_96 : memref<1x64xf32, #tpu.memory_space<vmem>> -> memref<64xf32, #tpu.memory_space<vmem>>
    %dma_wait3A_98 = arith.constant 0 : i32
    %dma_wait3A_99 = tpu.memref_slice %arg2[%dma_wait3A_93, %dma_wait3A_98] : memref<1000000x64xf32, #tpu.memory_space<hbm>> -> memref<1x64xf32, #tpu.memory_space<hbm>>
    %dma_wait3A_100 = tpu.memref_squeeze %dma_wait3A_99 : memref<1x64xf32, #tpu.memory_space<hbm>> -> memref<64xf32, #tpu.memory_space<hbm>>
    %dma_wait3A_101 = arith.constant 0 : i32
    %dma_wait3A_102 = tpu.memref_slice %arg7[%dma_wait3A_94, %dma_wait3A_101] : memref<512x64xf32, #tpu.memory_space<vmem>> -> memref<1x64xf32, #tpu.memory_space<vmem>>
    %dma_wait3A_103 = tpu.memref_squeeze %dma_wait3A_102 : memref<1x64xf32, #tpu.memory_space<vmem>> -> memref<64xf32, #tpu.memory_space<vmem>>
    %dma_wait3A_104 = arith.constant 0 : i32
    %dma_wait3A_105 = tpu.memref_slice %arg2[%dma_wait3A_93, %dma_wait3A_104] : memref<1000000x64xf32, #tpu.memory_space<hbm>> -> memref<1x64xf32, #tpu.memory_space<hbm>>
    %dma_wait3A_106 = tpu.memref_squeeze %dma_wait3A_105 : memref<1x64xf32, #tpu.memory_space<hbm>> -> memref<64xf32, #tpu.memory_space<hbm>>
    tpu.wait_dma2 semaphore(%arg8 : memref<!tpu.dma_semaphore, #tpu.memory_space<semaphore_mem>>) src(%dma_wait3A_106 : memref<64xf32, #tpu.memory_space<hbm>>) dst(%dma_wait3A_103 : memref<64xf32, #tpu.memory_space<vmem>>)
    %dma_wait3A_107 = arith.constant 0 : i32
    %dma_wait3A_108 = arith.constant 487 : i32
    %dma_wait3A_109 = arith.constant 0 : i32
    %dma_wait3A_110 = tpu.memref_slice %arg7[%dma_wait3A_108, %dma_wait3A_109] : memref<512x64xf32, #tpu.memory_space<vmem>> -> memref<1x64xf32, #tpu.memory_space<vmem>>
    %dma_wait3A_111 = tpu.memref_squeeze %dma_wait3A_110 : memref<1x64xf32, #tpu.memory_space<vmem>> -> memref<64xf32, #tpu.memory_space<vmem>>
    %dma_wait3A_112 = arith.constant 0 : i32
    %dma_wait3A_113 = tpu.memref_slice %arg2[%dma_wait3A_107, %dma_wait3A_112] : memref<1000000x64xf32, #tpu.memory_space<hbm>> -> memref<1x64xf32, #tpu.memory_space<hbm>>
    %dma_wait3A_114 = tpu.memref_squeeze %dma_wait3A_113 : memref<1x64xf32, #tpu.memory_space<hbm>> -> memref<64xf32, #tpu.memory_space<hbm>>
    %dma_wait3A_115 = arith.constant 0 : i32
    %dma_wait3A_116 = tpu.memref_slice %arg7[%dma_wait3A_108, %dma_wait3A_115] : memref<512x64xf32, #tpu.memory_space<vmem>> -> memref<1x64xf32, #tpu.memory_space<vmem>>
    %dma_wait3A_117 = tpu.memref_squeeze %dma_wait3A_116 : memref<1x64xf32, #tpu.memory_space<vmem>> -> memref<64xf32, #tpu.memory_space<vmem>>
    %dma_wait3A_118 = arith.constant 0 : i32
    %dma_wait3A_119 = tpu.memref_slice %arg2[%dma_wait3A_107, %dma_wait3A_118] : memref<1000000x64xf32, #tpu.memory_space<hbm>> -> memref<1x64xf32, #tpu.memory_space<hbm>>
    %dma_wait3A_120 = tpu.memref_squeeze %dma_wait3A_119 : memref<1x64xf32, #tpu.memory_space<hbm>> -> memref<64xf32, #tpu.memory_space<hbm>>
    tpu.wait_dma2 semaphore(%arg8 : memref<!tpu.dma_semaphore, #tpu.memory_space<semaphore_mem>>) src(%dma_wait3A_120 : memref<64xf32, #tpu.memory_space<hbm>>) dst(%dma_wait3A_117 : memref<64xf32, #tpu.memory_space<vmem>>)
    %dma_wait3A_121 = arith.constant 0 : i32
    %dma_wait3A_122 = arith.constant 488 : i32
    %dma_wait3A_123 = arith.constant 0 : i32
    %dma_wait3A_124 = tpu.memref_slice %arg7[%dma_wait3A_122, %dma_wait3A_123] : memref<512x64xf32, #tpu.memory_space<vmem>> -> memref<1x64xf32, #tpu.memory_space<vmem>>
    %dma_wait3A_125 = tpu.memref_squeeze %dma_wait3A_124 : memref<1x64xf32, #tpu.memory_space<vmem>> -> memref<64xf32, #tpu.memory_space<vmem>>
    %dma_wait3A_126 = arith.constant 0 : i32
    %dma_wait3A_127 = tpu.memref_slice %arg2[%dma_wait3A_121, %dma_wait3A_126] : memref<1000000x64xf32, #tpu.memory_space<hbm>> -> memref<1x64xf32, #tpu.memory_space<hbm>>
    %dma_wait3A_128 = tpu.memref_squeeze %dma_wait3A_127 : memref<1x64xf32, #tpu.memory_space<hbm>> -> memref<64xf32, #tpu.memory_space<hbm>>
    %dma_wait3A_129 = arith.constant 0 : i32
    %dma_wait3A_130 = tpu.memref_slice %arg7[%dma_wait3A_122, %dma_wait3A_129] : memref<512x64xf32, #tpu.memory_space<vmem>> -> memref<1x64xf32, #tpu.memory_space<vmem>>
    %dma_wait3A_131 = tpu.memref_squeeze %dma_wait3A_130 : memref<1x64xf32, #tpu.memory_space<vmem>> -> memref<64xf32, #tpu.memory_space<vmem>>
    %dma_wait3A_132 = arith.constant 0 : i32
    %dma_wait3A_133 = tpu.memref_slice %arg2[%dma_wait3A_121, %dma_wait3A_132] : memref<1000000x64xf32, #tpu.memory_space<hbm>> -> memref<1x64xf32, #tpu.memory_space<hbm>>
    %dma_wait3A_134 = tpu.memref_squeeze %dma_wait3A_133 : memref<1x64xf32, #tpu.memory_space<hbm>> -> memref<64xf32, #tpu.memory_space<hbm>>
    tpu.wait_dma2 semaphore(%arg8 : memref<!tpu.dma_semaphore, #tpu.memory_space<semaphore_mem>>) src(%dma_wait3A_134 : memref<64xf32, #tpu.memory_space<hbm>>) dst(%dma_wait3A_131 : memref<64xf32, #tpu.memory_space<vmem>>)
    %dma_wait3A_135 = arith.constant 0 : i32
    %dma_wait3A_136 = arith.constant 489 : i32
    %dma_wait3A_137 = arith.constant 0 : i32
    %dma_wait3A_138 = tpu.memref_slice %arg7[%dma_wait3A_136, %dma_wait3A_137] : memref<512x64xf32, #tpu.memory_space<vmem>> -> memref<1x64xf32, #tpu.memory_space<vmem>>
    %dma_wait3A_139 = tpu.memref_squeeze %dma_wait3A_138 : memref<1x64xf32, #tpu.memory_space<vmem>> -> memref<64xf32, #tpu.memory_space<vmem>>
    %dma_wait3A_140 = arith.constant 0 : i32
    %dma_wait3A_141 = tpu.memref_slice %arg2[%dma_wait3A_135, %dma_wait3A_140] : memref<1000000x64xf32, #tpu.memory_space<hbm>> -> memref<1x64xf32, #tpu.memory_space<hbm>>
    %dma_wait3A_142 = tpu.memref_squeeze %dma_wait3A_141 : memref<1x64xf32, #tpu.memory_space<hbm>> -> memref<64xf32, #tpu.memory_space<hbm>>
    %dma_wait3A_143 = arith.constant 0 : i32
    %dma_wait3A_144 = tpu.memref_slice %arg7[%dma_wait3A_136, %dma_wait3A_143] : memref<512x64xf32, #tpu.memory_space<vmem>> -> memref<1x64xf32, #tpu.memory_space<vmem>>
    %dma_wait3A_145 = tpu.memref_squeeze %dma_wait3A_144 : memref<1x64xf32, #tpu.memory_space<vmem>> -> memref<64xf32, #tpu.memory_space<vmem>>
    %dma_wait3A_146 = arith.constant 0 : i32
    %dma_wait3A_147 = tpu.memref_slice %arg2[%dma_wait3A_135, %dma_wait3A_146] : memref<1000000x64xf32, #tpu.memory_space<hbm>> -> memref<1x64xf32, #tpu.memory_space<hbm>>
    %dma_wait3A_148 = tpu.memref_squeeze %dma_wait3A_147 : memref<1x64xf32, #tpu.memory_space<hbm>> -> memref<64xf32, #tpu.memory_space<hbm>>
    tpu.wait_dma2 semaphore(%arg8 : memref<!tpu.dma_semaphore, #tpu.memory_space<semaphore_mem>>) src(%dma_wait3A_148 : memref<64xf32, #tpu.memory_space<hbm>>) dst(%dma_wait3A_145 : memref<64xf32, #tpu.memory_space<vmem>>)
    %dma_wait3A_149 = arith.constant 0 : i32
    %dma_wait3A_150 = arith.constant 490 : i32
    %dma_wait3A_151 = arith.constant 0 : i32
    %dma_wait3A_152 = tpu.memref_slice %arg7[%dma_wait3A_150, %dma_wait3A_151] : memref<512x64xf32, #tpu.memory_space<vmem>> -> memref<1x64xf32, #tpu.memory_space<vmem>>
    %dma_wait3A_153 = tpu.memref_squeeze %dma_wait3A_152 : memref<1x64xf32, #tpu.memory_space<vmem>> -> memref<64xf32, #tpu.memory_space<vmem>>
    %dma_wait3A_154 = arith.constant 0 : i32
    %dma_wait3A_155 = tpu.memref_slice %arg2[%dma_wait3A_149, %dma_wait3A_154] : memref<1000000x64xf32, #tpu.memory_space<hbm>> -> memref<1x64xf32, #tpu.memory_space<hbm>>
    %dma_wait3A_156 = tpu.memref_squeeze %dma_wait3A_155 : memref<1x64xf32, #tpu.memory_space<hbm>> -> memref<64xf32, #tpu.memory_space<hbm>>
    %dma_wait3A_157 = arith.constant 0 : i32
    %dma_wait3A_158 = tpu.memref_slice %arg7[%dma_wait3A_150, %dma_wait3A_157] : memref<512x64xf32, #tpu.memory_space<vmem>> -> memref<1x64xf32, #tpu.memory_space<vmem>>
    %dma_wait3A_159 = tpu.memref_squeeze %dma_wait3A_158 : memref<1x64xf32, #tpu.memory_space<vmem>> -> memref<64xf32, #tpu.memory_space<vmem>>
    %dma_wait3A_160 = arith.constant 0 : i32
    %dma_wait3A_161 = tpu.memref_slice %arg2[%dma_wait3A_149, %dma_wait3A_160] : memref<1000000x64xf32, #tpu.memory_space<hbm>> -> memref<1x64xf32, #tpu.memory_space<hbm>>
    %dma_wait3A_162 = tpu.memref_squeeze %dma_wait3A_161 : memref<1x64xf32, #tpu.memory_space<hbm>> -> memref<64xf32, #tpu.memory_space<hbm>>
    tpu.wait_dma2 semaphore(%arg8 : memref<!tpu.dma_semaphore, #tpu.memory_space<semaphore_mem>>) src(%dma_wait3A_162 : memref<64xf32, #tpu.memory_space<hbm>>) dst(%dma_wait3A_159 : memref<64xf32, #tpu.memory_space<vmem>>)
    %dma_wait3A_163 = arith.constant 0 : i32
    %dma_wait3A_164 = arith.constant 491 : i32
    %dma_wait3A_165 = arith.constant 0 : i32
    %dma_wait3A_166 = tpu.memref_slice %arg7[%dma_wait3A_164, %dma_wait3A_165] : memref<512x64xf32, #tpu.memory_space<vmem>> -> memref<1x64xf32, #tpu.memory_space<vmem>>
    %dma_wait3A_167 = tpu.memref_squeeze %dma_wait3A_166 : memref<1x64xf32, #tpu.memory_space<vmem>> -> memref<64xf32, #tpu.memory_space<vmem>>
    %dma_wait3A_168 = arith.constant 0 : i32
    %dma_wait3A_169 = tpu.memref_slice %arg2[%dma_wait3A_163, %dma_wait3A_168] : memref<1000000x64xf32, #tpu.memory_space<hbm>> -> memref<1x64xf32, #tpu.memory_space<hbm>>
    %dma_wait3A_170 = tpu.memref_squeeze %dma_wait3A_169 : memref<1x64xf32, #tpu.memory_space<hbm>> -> memref<64xf32, #tpu.memory_space<hbm>>
    %dma_wait3A_171 = arith.constant 0 : i32
    %dma_wait3A_172 = tpu.memref_slice %arg7[%dma_wait3A_164, %dma_wait3A_171] : memref<512x64xf32, #tpu.memory_space<vmem>> -> memref<1x64xf32, #tpu.memory_space<vmem>>
    %dma_wait3A_173 = tpu.memref_squeeze %dma_wait3A_172 : memref<1x64xf32, #tpu.memory_space<vmem>> -> memref<64xf32, #tpu.memory_space<vmem>>
    %dma_wait3A_174 = arith.constant 0 : i32
    %dma_wait3A_175 = tpu.memref_slice %arg2[%dma_wait3A_163, %dma_wait3A_174] : memref<1000000x64xf32, #tpu.memory_space<hbm>> -> memref<1x64xf32, #tpu.memory_space<hbm>>
    %dma_wait3A_176 = tpu.memref_squeeze %dma_wait3A_175 : memref<1x64xf32, #tpu.memory_space<hbm>> -> memref<64xf32, #tpu.memory_space<hbm>>
    tpu.wait_dma2 semaphore(%arg8 : memref<!tpu.dma_semaphore, #tpu.memory_space<semaphore_mem>>) src(%dma_wait3A_176 : memref<64xf32, #tpu.memory_space<hbm>>) dst(%dma_wait3A_173 : memref<64xf32, #tpu.memory_space<vmem>>)
    %dma_wait3A_177 = arith.constant 0 : i32
    %dma_wait3A_178 = arith.constant 492 : i32
    %dma_wait3A_179 = arith.constant 0 : i32
    %dma_wait3A_180 = tpu.memref_slice %arg7[%dma_wait3A_178, %dma_wait3A_179] : memref<512x64xf32, #tpu.memory_space<vmem>> -> memref<1x64xf32, #tpu.memory_space<vmem>>
    %dma_wait3A_181 = tpu.memref_squeeze %dma_wait3A_180 : memref<1x64xf32, #tpu.memory_space<vmem>> -> memref<64xf32, #tpu.memory_space<vmem>>
    %dma_wait3A_182 = arith.constant 0 : i32
    %dma_wait3A_183 = tpu.memref_slice %arg2[%dma_wait3A_177, %dma_wait3A_182] : memref<1000000x64xf32, #tpu.memory_space<hbm>> -> memref<1x64xf32, #tpu.memory_space<hbm>>
    %dma_wait3A_184 = tpu.memref_squeeze %dma_wait3A_183 : memref<1x64xf32, #tpu.memory_space<hbm>> -> memref<64xf32, #tpu.memory_space<hbm>>
    %dma_wait3A_185 = arith.constant 0 : i32
    %dma_wait3A_186 = tpu.memref_slice %arg7[%dma_wait3A_178, %dma_wait3A_185] : memref<512x64xf32, #tpu.memory_space<vmem>> -> memref<1x64xf32, #tpu.memory_space<vmem>>
    %dma_wait3A_187 = tpu.memref_squeeze %dma_wait3A_186 : memref<1x64xf32, #tpu.memory_space<vmem>> -> memref<64xf32, #tpu.memory_space<vmem>>
    %dma_wait3A_188 = arith.constant 0 : i32
    %dma_wait3A_189 = tpu.memref_slice %arg2[%dma_wait3A_177, %dma_wait3A_188] : memref<1000000x64xf32, #tpu.memory_space<hbm>> -> memref<1x64xf32, #tpu.memory_space<hbm>>
    %dma_wait3A_190 = tpu.memref_squeeze %dma_wait3A_189 : memref<1x64xf32, #tpu.memory_space<hbm>> -> memref<64xf32, #tpu.memory_space<hbm>>
    tpu.wait_dma2 semaphore(%arg8 : memref<!tpu.dma_semaphore, #tpu.memory_space<semaphore_mem>>) src(%dma_wait3A_190 : memref<64xf32, #tpu.memory_space<hbm>>) dst(%dma_wait3A_187 : memref<64xf32, #tpu.memory_space<vmem>>)
    %dma_wait3A_191 = arith.constant 0 : i32
    %dma_wait3A_192 = arith.constant 493 : i32
    %dma_wait3A_193 = arith.constant 0 : i32
    %dma_wait3A_194 = tpu.memref_slice %arg7[%dma_wait3A_192, %dma_wait3A_193] : memref<512x64xf32, #tpu.memory_space<vmem>> -> memref<1x64xf32, #tpu.memory_space<vmem>>
    %dma_wait3A_195 = tpu.memref_squeeze %dma_wait3A_194 : memref<1x64xf32, #tpu.memory_space<vmem>> -> memref<64xf32, #tpu.memory_space<vmem>>
    %dma_wait3A_196 = arith.constant 0 : i32
    %dma_wait3A_197 = tpu.memref_slice %arg2[%dma_wait3A_191, %dma_wait3A_196] : memref<1000000x64xf32, #tpu.memory_space<hbm>> -> memref<1x64xf32, #tpu.memory_space<hbm>>
    %dma_wait3A_198 = tpu.memref_squeeze %dma_wait3A_197 : memref<1x64xf32, #tpu.memory_space<hbm>> -> memref<64xf32, #tpu.memory_space<hbm>>
    %dma_wait3A_199 = arith.constant 0 : i32
    %dma_wait3A_200 = tpu.memref_slice %arg7[%dma_wait3A_192, %dma_wait3A_199] : memref<512x64xf32, #tpu.memory_space<vmem>> -> memref<1x64xf32, #tpu.memory_space<vmem>>
    %dma_wait3A_201 = tpu.memref_squeeze %dma_wait3A_200 : memref<1x64xf32, #tpu.memory_space<vmem>> -> memref<64xf32, #tpu.memory_space<vmem>>
    %dma_wait3A_202 = arith.constant 0 : i32
    %dma_wait3A_203 = tpu.memref_slice %arg2[%dma_wait3A_191, %dma_wait3A_202] : memref<1000000x64xf32, #tpu.memory_space<hbm>> -> memref<1x64xf32, #tpu.memory_space<hbm>>
    %dma_wait3A_204 = tpu.memref_squeeze %dma_wait3A_203 : memref<1x64xf32, #tpu.memory_space<hbm>> -> memref<64xf32, #tpu.memory_space<hbm>>
    tpu.wait_dma2 semaphore(%arg8 : memref<!tpu.dma_semaphore, #tpu.memory_space<semaphore_mem>>) src(%dma_wait3A_204 : memref<64xf32, #tpu.memory_space<hbm>>) dst(%dma_wait3A_201 : memref<64xf32, #tpu.memory_space<vmem>>)
    %dma_wait3A_205 = arith.constant 0 : i32
    %dma_wait3A_206 = arith.constant 494 : i32
    %dma_wait3A_207 = arith.constant 0 : i32
    %dma_wait3A_208 = tpu.memref_slice %arg7[%dma_wait3A_206, %dma_wait3A_207] : memref<512x64xf32, #tpu.memory_space<vmem>> -> memref<1x64xf32, #tpu.memory_space<vmem>>
    %dma_wait3A_209 = tpu.memref_squeeze %dma_wait3A_208 : memref<1x64xf32, #tpu.memory_space<vmem>> -> memref<64xf32, #tpu.memory_space<vmem>>
    %dma_wait3A_210 = arith.constant 0 : i32
    %dma_wait3A_211 = tpu.memref_slice %arg2[%dma_wait3A_205, %dma_wait3A_210] : memref<1000000x64xf32, #tpu.memory_space<hbm>> -> memref<1x64xf32, #tpu.memory_space<hbm>>
    %dma_wait3A_212 = tpu.memref_squeeze %dma_wait3A_211 : memref<1x64xf32, #tpu.memory_space<hbm>> -> memref<64xf32, #tpu.memory_space<hbm>>
    %dma_wait3A_213 = arith.constant 0 : i32
    %dma_wait3A_214 = tpu.memref_slice %arg7[%dma_wait3A_206, %dma_wait3A_213] : memref<512x64xf32, #tpu.memory_space<vmem>> -> memref<1x64xf32, #tpu.memory_space<vmem>>
    %dma_wait3A_215 = tpu.memref_squeeze %dma_wait3A_214 : memref<1x64xf32, #tpu.memory_space<vmem>> -> memref<64xf32, #tpu.memory_space<vmem>>
    %dma_wait3A_216 = arith.constant 0 : i32
    %dma_wait3A_217 = tpu.memref_slice %arg2[%dma_wait3A_205, %dma_wait3A_216] : memref<1000000x64xf32, #tpu.memory_space<hbm>> -> memref<1x64xf32, #tpu.memory_space<hbm>>
    %dma_wait3A_218 = tpu.memref_squeeze %dma_wait3A_217 : memref<1x64xf32, #tpu.memory_space<hbm>> -> memref<64xf32, #tpu.memory_space<hbm>>
    tpu.wait_dma2 semaphore(%arg8 : memref<!tpu.dma_semaphore, #tpu.memory_space<semaphore_mem>>) src(%dma_wait3A_218 : memref<64xf32, #tpu.memory_space<hbm>>) dst(%dma_wait3A_215 : memref<64xf32, #tpu.memory_space<vmem>>)
    %dma_wait3A_219 = arith.constant 0 : i32
    %dma_wait3A_220 = arith.constant 495 : i32
    %dma_wait3A_221 = arith.constant 0 : i32
    %dma_wait3A_222 = tpu.memref_slice %arg7[%dma_wait3A_220, %dma_wait3A_221] : memref<512x64xf32, #tpu.memory_space<vmem>> -> memref<1x64xf32, #tpu.memory_space<vmem>>
    %dma_wait3A_223 = tpu.memref_squeeze %dma_wait3A_222 : memref<1x64xf32, #tpu.memory_space<vmem>> -> memref<64xf32, #tpu.memory_space<vmem>>
    %dma_wait3A_224 = arith.constant 0 : i32
    %dma_wait3A_225 = tpu.memref_slice %arg2[%dma_wait3A_219, %dma_wait3A_224] : memref<1000000x64xf32, #tpu.memory_space<hbm>> -> memref<1x64xf32, #tpu.memory_space<hbm>>
    %dma_wait3A_226 = tpu.memref_squeeze %dma_wait3A_225 : memref<1x64xf32, #tpu.memory_space<hbm>> -> memref<64xf32, #tpu.memory_space<hbm>>
    %dma_wait3A_227 = arith.constant 0 : i32
    %dma_wait3A_228 = tpu.memref_slice %arg7[%dma_wait3A_220, %dma_wait3A_227] : memref<512x64xf32, #tpu.memory_space<vmem>> -> memref<1x64xf32, #tpu.memory_space<vmem>>
    %dma_wait3A_229 = tpu.memref_squeeze %dma_wait3A_228 : memref<1x64xf32, #tpu.memory_space<vmem>> -> memref<64xf32, #tpu.memory_space<vmem>>
    %dma_wait3A_230 = arith.constant 0 : i32
    %dma_wait3A_231 = tpu.memref_slice %arg2[%dma_wait3A_219, %dma_wait3A_230] : memref<1000000x64xf32, #tpu.memory_space<hbm>> -> memref<1x64xf32, #tpu.memory_space<hbm>>
    %dma_wait3A_232 = tpu.memref_squeeze %dma_wait3A_231 : memref<1x64xf32, #tpu.memory_space<hbm>> -> memref<64xf32, #tpu.memory_space<hbm>>
    tpu.wait_dma2 semaphore(%arg8 : memref<!tpu.dma_semaphore, #tpu.memory_space<semaphore_mem>>) src(%dma_wait3A_232 : memref<64xf32, #tpu.memory_space<hbm>>) dst(%dma_wait3A_229 : memref<64xf32, #tpu.memory_space<vmem>>)
    %dma_wait3A_233 = arith.constant 0 : i32
    %dma_wait3A_234 = arith.constant 496 : i32
    %dma_wait3A_235 = arith.constant 0 : i32
    %dma_wait3A_236 = tpu.memref_slice %arg7[%dma_wait3A_234, %dma_wait3A_235] : memref<512x64xf32, #tpu.memory_space<vmem>> -> memref<1x64xf32, #tpu.memory_space<vmem>>
    %dma_wait3A_237 = tpu.memref_squeeze %dma_wait3A_236 : memref<1x64xf32, #tpu.memory_space<vmem>> -> memref<64xf32, #tpu.memory_space<vmem>>
    %dma_wait3A_238 = arith.constant 0 : i32
    %dma_wait3A_239 = tpu.memref_slice %arg2[%dma_wait3A_233, %dma_wait3A_238] : memref<1000000x64xf32, #tpu.memory_space<hbm>> -> memref<1x64xf32, #tpu.memory_space<hbm>>
    %dma_wait3A_240 = tpu.memref_squeeze %dma_wait3A_239 : memref<1x64xf32, #tpu.memory_space<hbm>> -> memref<64xf32, #tpu.memory_space<hbm>>
    %dma_wait3A_241 = arith.constant 0 : i32
    %dma_wait3A_242 = tpu.memref_slice %arg7[%dma_wait3A_234, %dma_wait3A_241] : memref<512x64xf32, #tpu.memory_space<vmem>> -> memref<1x64xf32, #tpu.memory_space<vmem>>
    %dma_wait3A_243 = tpu.memref_squeeze %dma_wait3A_242 : memref<1x64xf32, #tpu.memory_space<vmem>> -> memref<64xf32, #tpu.memory_space<vmem>>
    %dma_wait3A_244 = arith.constant 0 : i32
    %dma_wait3A_245 = tpu.memref_slice %arg2[%dma_wait3A_233, %dma_wait3A_244] : memref<1000000x64xf32, #tpu.memory_space<hbm>> -> memref<1x64xf32, #tpu.memory_space<hbm>>
    %dma_wait3A_246 = tpu.memref_squeeze %dma_wait3A_245 : memref<1x64xf32, #tpu.memory_space<hbm>> -> memref<64xf32, #tpu.memory_space<hbm>>
    tpu.wait_dma2 semaphore(%arg8 : memref<!tpu.dma_semaphore, #tpu.memory_space<semaphore_mem>>) src(%dma_wait3A_246 : memref<64xf32, #tpu.memory_space<hbm>>) dst(%dma_wait3A_243 : memref<64xf32, #tpu.memory_space<vmem>>)
    %dma_wait3A_247 = arith.constant 0 : i32
    %dma_wait3A_248 = arith.constant 497 : i32
    %dma_wait3A_249 = arith.constant 0 : i32
    %dma_wait3A_250 = tpu.memref_slice %arg7[%dma_wait3A_248, %dma_wait3A_249] : memref<512x64xf32, #tpu.memory_space<vmem>> -> memref<1x64xf32, #tpu.memory_space<vmem>>
    %dma_wait3A_251 = tpu.memref_squeeze %dma_wait3A_250 : memref<1x64xf32, #tpu.memory_space<vmem>> -> memref<64xf32, #tpu.memory_space<vmem>>
    %dma_wait3A_252 = arith.constant 0 : i32
    %dma_wait3A_253 = tpu.memref_slice %arg2[%dma_wait3A_247, %dma_wait3A_252] : memref<1000000x64xf32, #tpu.memory_space<hbm>> -> memref<1x64xf32, #tpu.memory_space<hbm>>
    %dma_wait3A_254 = tpu.memref_squeeze %dma_wait3A_253 : memref<1x64xf32, #tpu.memory_space<hbm>> -> memref<64xf32, #tpu.memory_space<hbm>>
    %dma_wait3A_255 = arith.constant 0 : i32
    %dma_wait3A_256 = tpu.memref_slice %arg7[%dma_wait3A_248, %dma_wait3A_255] : memref<512x64xf32, #tpu.memory_space<vmem>> -> memref<1x64xf32, #tpu.memory_space<vmem>>
    %dma_wait3A_257 = tpu.memref_squeeze %dma_wait3A_256 : memref<1x64xf32, #tpu.memory_space<vmem>> -> memref<64xf32, #tpu.memory_space<vmem>>
    %dma_wait3A_258 = arith.constant 0 : i32
    %dma_wait3A_259 = tpu.memref_slice %arg2[%dma_wait3A_247, %dma_wait3A_258] : memref<1000000x64xf32, #tpu.memory_space<hbm>> -> memref<1x64xf32, #tpu.memory_space<hbm>>
    %dma_wait3A_260 = tpu.memref_squeeze %dma_wait3A_259 : memref<1x64xf32, #tpu.memory_space<hbm>> -> memref<64xf32, #tpu.memory_space<hbm>>
    tpu.wait_dma2 semaphore(%arg8 : memref<!tpu.dma_semaphore, #tpu.memory_space<semaphore_mem>>) src(%dma_wait3A_260 : memref<64xf32, #tpu.memory_space<hbm>>) dst(%dma_wait3A_257 : memref<64xf32, #tpu.memory_space<vmem>>)
    %dma_wait3A_261 = arith.constant 0 : i32
    %dma_wait3A_262 = arith.constant 498 : i32
    %dma_wait3A_263 = arith.constant 0 : i32
    %dma_wait3A_264 = tpu.memref_slice %arg7[%dma_wait3A_262, %dma_wait3A_263] : memref<512x64xf32, #tpu.memory_space<vmem>> -> memref<1x64xf32, #tpu.memory_space<vmem>>
    %dma_wait3A_265 = tpu.memref_squeeze %dma_wait3A_264 : memref<1x64xf32, #tpu.memory_space<vmem>> -> memref<64xf32, #tpu.memory_space<vmem>>
    %dma_wait3A_266 = arith.constant 0 : i32
    %dma_wait3A_267 = tpu.memref_slice %arg2[%dma_wait3A_261, %dma_wait3A_266] : memref<1000000x64xf32, #tpu.memory_space<hbm>> -> memref<1x64xf32, #tpu.memory_space<hbm>>
    %dma_wait3A_268 = tpu.memref_squeeze %dma_wait3A_267 : memref<1x64xf32, #tpu.memory_space<hbm>> -> memref<64xf32, #tpu.memory_space<hbm>>
    %dma_wait3A_269 = arith.constant 0 : i32
    %dma_wait3A_270 = tpu.memref_slice %arg7[%dma_wait3A_262, %dma_wait3A_269] : memref<512x64xf32, #tpu.memory_space<vmem>> -> memref<1x64xf32, #tpu.memory_space<vmem>>
    %dma_wait3A_271 = tpu.memref_squeeze %dma_wait3A_270 : memref<1x64xf32, #tpu.memory_space<vmem>> -> memref<64xf32, #tpu.memory_space<vmem>>
    %dma_wait3A_272 = arith.constant 0 : i32
    %dma_wait3A_273 = tpu.memref_slice %arg2[%dma_wait3A_261, %dma_wait3A_272] : memref<1000000x64xf32, #tpu.memory_space<hbm>> -> memref<1x64xf32, #tpu.memory_space<hbm>>
    %dma_wait3A_274 = tpu.memref_squeeze %dma_wait3A_273 : memref<1x64xf32, #tpu.memory_space<hbm>> -> memref<64xf32, #tpu.memory_space<hbm>>
    tpu.wait_dma2 semaphore(%arg8 : memref<!tpu.dma_semaphore, #tpu.memory_space<semaphore_mem>>) src(%dma_wait3A_274 : memref<64xf32, #tpu.memory_space<hbm>>) dst(%dma_wait3A_271 : memref<64xf32, #tpu.memory_space<vmem>>)
    %dma_wait3A_275 = arith.constant 0 : i32
    %dma_wait3A_276 = arith.constant 499 : i32
    %dma_wait3A_277 = arith.constant 0 : i32
    %dma_wait3A_278 = tpu.memref_slice %arg7[%dma_wait3A_276, %dma_wait3A_277] : memref<512x64xf32, #tpu.memory_space<vmem>> -> memref<1x64xf32, #tpu.memory_space<vmem>>
    %dma_wait3A_279 = tpu.memref_squeeze %dma_wait3A_278 : memref<1x64xf32, #tpu.memory_space<vmem>> -> memref<64xf32, #tpu.memory_space<vmem>>
    %dma_wait3A_280 = arith.constant 0 : i32
    %dma_wait3A_281 = tpu.memref_slice %arg2[%dma_wait3A_275, %dma_wait3A_280] : memref<1000000x64xf32, #tpu.memory_space<hbm>> -> memref<1x64xf32, #tpu.memory_space<hbm>>
    %dma_wait3A_282 = tpu.memref_squeeze %dma_wait3A_281 : memref<1x64xf32, #tpu.memory_space<hbm>> -> memref<64xf32, #tpu.memory_space<hbm>>
    %dma_wait3A_283 = arith.constant 0 : i32
    %dma_wait3A_284 = tpu.memref_slice %arg7[%dma_wait3A_276, %dma_wait3A_283] : memref<512x64xf32, #tpu.memory_space<vmem>> -> memref<1x64xf32, #tpu.memory_space<vmem>>
    %dma_wait3A_285 = tpu.memref_squeeze %dma_wait3A_284 : memref<1x64xf32, #tpu.memory_space<vmem>> -> memref<64xf32, #tpu.memory_space<vmem>>
    %dma_wait3A_286 = arith.constant 0 : i32
    %dma_wait3A_287 = tpu.memref_slice %arg2[%dma_wait3A_275, %dma_wait3A_286] : memref<1000000x64xf32, #tpu.memory_space<hbm>> -> memref<1x64xf32, #tpu.memory_space<hbm>>
    %dma_wait3A_288 = tpu.memref_squeeze %dma_wait3A_287 : memref<1x64xf32, #tpu.memory_space<hbm>> -> memref<64xf32, #tpu.memory_space<hbm>>
    tpu.wait_dma2 semaphore(%arg8 : memref<!tpu.dma_semaphore, #tpu.memory_space<semaphore_mem>>) src(%dma_wait3A_288 : memref<64xf32, #tpu.memory_space<hbm>>) dst(%dma_wait3A_285 : memref<64xf32, #tpu.memory_space<vmem>>)
    %dma_wait3A_289 = arith.constant 0 : i32
    %dma_wait3A_290 = arith.constant 500 : i32
    %dma_wait3A_291 = arith.constant 0 : i32
    %dma_wait3A_292 = tpu.memref_slice %arg7[%dma_wait3A_290, %dma_wait3A_291] : memref<512x64xf32, #tpu.memory_space<vmem>> -> memref<1x64xf32, #tpu.memory_space<vmem>>
    %dma_wait3A_293 = tpu.memref_squeeze %dma_wait3A_292 : memref<1x64xf32, #tpu.memory_space<vmem>> -> memref<64xf32, #tpu.memory_space<vmem>>
    %dma_wait3A_294 = arith.constant 0 : i32
    %dma_wait3A_295 = tpu.memref_slice %arg2[%dma_wait3A_289, %dma_wait3A_294] : memref<1000000x64xf32, #tpu.memory_space<hbm>> -> memref<1x64xf32, #tpu.memory_space<hbm>>
    %dma_wait3A_296 = tpu.memref_squeeze %dma_wait3A_295 : memref<1x64xf32, #tpu.memory_space<hbm>> -> memref<64xf32, #tpu.memory_space<hbm>>
    %dma_wait3A_297 = arith.constant 0 : i32
    %dma_wait3A_298 = tpu.memref_slice %arg7[%dma_wait3A_290, %dma_wait3A_297] : memref<512x64xf32, #tpu.memory_space<vmem>> -> memref<1x64xf32, #tpu.memory_space<vmem>>
    %dma_wait3A_299 = tpu.memref_squeeze %dma_wait3A_298 : memref<1x64xf32, #tpu.memory_space<vmem>> -> memref<64xf32, #tpu.memory_space<vmem>>
    %dma_wait3A_300 = arith.constant 0 : i32
    %dma_wait3A_301 = tpu.memref_slice %arg2[%dma_wait3A_289, %dma_wait3A_300] : memref<1000000x64xf32, #tpu.memory_space<hbm>> -> memref<1x64xf32, #tpu.memory_space<hbm>>
    %dma_wait3A_302 = tpu.memref_squeeze %dma_wait3A_301 : memref<1x64xf32, #tpu.memory_space<hbm>> -> memref<64xf32, #tpu.memory_space<hbm>>
    tpu.wait_dma2 semaphore(%arg8 : memref<!tpu.dma_semaphore, #tpu.memory_space<semaphore_mem>>) src(%dma_wait3A_302 : memref<64xf32, #tpu.memory_space<hbm>>) dst(%dma_wait3A_299 : memref<64xf32, #tpu.memory_space<vmem>>)
    %dma_wait3A_303 = arith.constant 0 : i32
    %dma_wait3A_304 = arith.constant 501 : i32
    %dma_wait3A_305 = arith.constant 0 : i32
    %dma_wait3A_306 = tpu.memref_slice %arg7[%dma_wait3A_304, %dma_wait3A_305] : memref<512x64xf32, #tpu.memory_space<vmem>> -> memref<1x64xf32, #tpu.memory_space<vmem>>
    %dma_wait3A_307 = tpu.memref_squeeze %dma_wait3A_306 : memref<1x64xf32, #tpu.memory_space<vmem>> -> memref<64xf32, #tpu.memory_space<vmem>>
    %dma_wait3A_308 = arith.constant 0 : i32
    %dma_wait3A_309 = tpu.memref_slice %arg2[%dma_wait3A_303, %dma_wait3A_308] : memref<1000000x64xf32, #tpu.memory_space<hbm>> -> memref<1x64xf32, #tpu.memory_space<hbm>>
    %dma_wait3A_310 = tpu.memref_squeeze %dma_wait3A_309 : memref<1x64xf32, #tpu.memory_space<hbm>> -> memref<64xf32, #tpu.memory_space<hbm>>
    %dma_wait3A_311 = arith.constant 0 : i32
    %dma_wait3A_312 = tpu.memref_slice %arg7[%dma_wait3A_304, %dma_wait3A_311] : memref<512x64xf32, #tpu.memory_space<vmem>> -> memref<1x64xf32, #tpu.memory_space<vmem>>
    %dma_wait3A_313 = tpu.memref_squeeze %dma_wait3A_312 : memref<1x64xf32, #tpu.memory_space<vmem>> -> memref<64xf32, #tpu.memory_space<vmem>>
    %dma_wait3A_314 = arith.constant 0 : i32
    %dma_wait3A_315 = tpu.memref_slice %arg2[%dma_wait3A_303, %dma_wait3A_314] : memref<1000000x64xf32, #tpu.memory_space<hbm>> -> memref<1x64xf32, #tpu.memory_space<hbm>>
    %dma_wait3A_316 = tpu.memref_squeeze %dma_wait3A_315 : memref<1x64xf32, #tpu.memory_space<hbm>> -> memref<64xf32, #tpu.memory_space<hbm>>
    tpu.wait_dma2 semaphore(%arg8 : memref<!tpu.dma_semaphore, #tpu.memory_space<semaphore_mem>>) src(%dma_wait3A_316 : memref<64xf32, #tpu.memory_space<hbm>>) dst(%dma_wait3A_313 : memref<64xf32, #tpu.memory_space<vmem>>)
    %dma_wait3A_317 = arith.constant 0 : i32
    %dma_wait3A_318 = arith.constant 502 : i32
    %dma_wait3A_319 = arith.constant 0 : i32
    %dma_wait3A_320 = tpu.memref_slice %arg7[%dma_wait3A_318, %dma_wait3A_319] : memref<512x64xf32, #tpu.memory_space<vmem>> -> memref<1x64xf32, #tpu.memory_space<vmem>>
    %dma_wait3A_321 = tpu.memref_squeeze %dma_wait3A_320 : memref<1x64xf32, #tpu.memory_space<vmem>> -> memref<64xf32, #tpu.memory_space<vmem>>
    %dma_wait3A_322 = arith.constant 0 : i32
    %dma_wait3A_323 = tpu.memref_slice %arg2[%dma_wait3A_317, %dma_wait3A_322] : memref<1000000x64xf32, #tpu.memory_space<hbm>> -> memref<1x64xf32, #tpu.memory_space<hbm>>
    %dma_wait3A_324 = tpu.memref_squeeze %dma_wait3A_323 : memref<1x64xf32, #tpu.memory_space<hbm>> -> memref<64xf32, #tpu.memory_space<hbm>>
    %dma_wait3A_325 = arith.constant 0 : i32
    %dma_wait3A_326 = tpu.memref_slice %arg7[%dma_wait3A_318, %dma_wait3A_325] : memref<512x64xf32, #tpu.memory_space<vmem>> -> memref<1x64xf32, #tpu.memory_space<vmem>>
    %dma_wait3A_327 = tpu.memref_squeeze %dma_wait3A_326 : memref<1x64xf32, #tpu.memory_space<vmem>> -> memref<64xf32, #tpu.memory_space<vmem>>
    %dma_wait3A_328 = arith.constant 0 : i32
    %dma_wait3A_329 = tpu.memref_slice %arg2[%dma_wait3A_317, %dma_wait3A_328] : memref<1000000x64xf32, #tpu.memory_space<hbm>> -> memref<1x64xf32, #tpu.memory_space<hbm>>
    %dma_wait3A_330 = tpu.memref_squeeze %dma_wait3A_329 : memref<1x64xf32, #tpu.memory_space<hbm>> -> memref<64xf32, #tpu.memory_space<hbm>>
    tpu.wait_dma2 semaphore(%arg8 : memref<!tpu.dma_semaphore, #tpu.memory_space<semaphore_mem>>) src(%dma_wait3A_330 : memref<64xf32, #tpu.memory_space<hbm>>) dst(%dma_wait3A_327 : memref<64xf32, #tpu.memory_space<vmem>>)
    %dma_wait3A_331 = arith.constant 0 : i32
    %dma_wait3A_332 = arith.constant 503 : i32
    %dma_wait3A_333 = arith.constant 0 : i32
    %dma_wait3A_334 = tpu.memref_slice %arg7[%dma_wait3A_332, %dma_wait3A_333] : memref<512x64xf32, #tpu.memory_space<vmem>> -> memref<1x64xf32, #tpu.memory_space<vmem>>
    %dma_wait3A_335 = tpu.memref_squeeze %dma_wait3A_334 : memref<1x64xf32, #tpu.memory_space<vmem>> -> memref<64xf32, #tpu.memory_space<vmem>>
    %dma_wait3A_336 = arith.constant 0 : i32
    %dma_wait3A_337 = tpu.memref_slice %arg2[%dma_wait3A_331, %dma_wait3A_336] : memref<1000000x64xf32, #tpu.memory_space<hbm>> -> memref<1x64xf32, #tpu.memory_space<hbm>>
    %dma_wait3A_338 = tpu.memref_squeeze %dma_wait3A_337 : memref<1x64xf32, #tpu.memory_space<hbm>> -> memref<64xf32, #tpu.memory_space<hbm>>
    %dma_wait3A_339 = arith.constant 0 : i32
    %dma_wait3A_340 = tpu.memref_slice %arg7[%dma_wait3A_332, %dma_wait3A_339] : memref<512x64xf32, #tpu.memory_space<vmem>> -> memref<1x64xf32, #tpu.memory_space<vmem>>
    %dma_wait3A_341 = tpu.memref_squeeze %dma_wait3A_340 : memref<1x64xf32, #tpu.memory_space<vmem>> -> memref<64xf32, #tpu.memory_space<vmem>>
    %dma_wait3A_342 = arith.constant 0 : i32
    %dma_wait3A_343 = tpu.memref_slice %arg2[%dma_wait3A_331, %dma_wait3A_342] : memref<1000000x64xf32, #tpu.memory_space<hbm>> -> memref<1x64xf32, #tpu.memory_space<hbm>>
    %dma_wait3A_344 = tpu.memref_squeeze %dma_wait3A_343 : memref<1x64xf32, #tpu.memory_space<hbm>> -> memref<64xf32, #tpu.memory_space<hbm>>
    tpu.wait_dma2 semaphore(%arg8 : memref<!tpu.dma_semaphore, #tpu.memory_space<semaphore_mem>>) src(%dma_wait3A_344 : memref<64xf32, #tpu.memory_space<hbm>>) dst(%dma_wait3A_341 : memref<64xf32, #tpu.memory_space<vmem>>)
    %dma_wait3A_345 = arith.constant 0 : i32
    %dma_wait3A_346 = arith.constant 504 : i32
    %dma_wait3A_347 = arith.constant 0 : i32
    %dma_wait3A_348 = tpu.memref_slice %arg7[%dma_wait3A_346, %dma_wait3A_347] : memref<512x64xf32, #tpu.memory_space<vmem>> -> memref<1x64xf32, #tpu.memory_space<vmem>>
    %dma_wait3A_349 = tpu.memref_squeeze %dma_wait3A_348 : memref<1x64xf32, #tpu.memory_space<vmem>> -> memref<64xf32, #tpu.memory_space<vmem>>
    %dma_wait3A_350 = arith.constant 0 : i32
    %dma_wait3A_351 = tpu.memref_slice %arg2[%dma_wait3A_345, %dma_wait3A_350] : memref<1000000x64xf32, #tpu.memory_space<hbm>> -> memref<1x64xf32, #tpu.memory_space<hbm>>
    %dma_wait3A_352 = tpu.memref_squeeze %dma_wait3A_351 : memref<1x64xf32, #tpu.memory_space<hbm>> -> memref<64xf32, #tpu.memory_space<hbm>>
    %dma_wait3A_353 = arith.constant 0 : i32
    %dma_wait3A_354 = tpu.memref_slice %arg7[%dma_wait3A_346, %dma_wait3A_353] : memref<512x64xf32, #tpu.memory_space<vmem>> -> memref<1x64xf32, #tpu.memory_space<vmem>>
    %dma_wait3A_355 = tpu.memref_squeeze %dma_wait3A_354 : memref<1x64xf32, #tpu.memory_space<vmem>> -> memref<64xf32, #tpu.memory_space<vmem>>
    %dma_wait3A_356 = arith.constant 0 : i32
    %dma_wait3A_357 = tpu.memref_slice %arg2[%dma_wait3A_345, %dma_wait3A_356] : memref<1000000x64xf32, #tpu.memory_space<hbm>> -> memref<1x64xf32, #tpu.memory_space<hbm>>
    %dma_wait3A_358 = tpu.memref_squeeze %dma_wait3A_357 : memref<1x64xf32, #tpu.memory_space<hbm>> -> memref<64xf32, #tpu.memory_space<hbm>>
    tpu.wait_dma2 semaphore(%arg8 : memref<!tpu.dma_semaphore, #tpu.memory_space<semaphore_mem>>) src(%dma_wait3A_358 : memref<64xf32, #tpu.memory_space<hbm>>) dst(%dma_wait3A_355 : memref<64xf32, #tpu.memory_space<vmem>>)
    %dma_wait3A_359 = arith.constant 0 : i32
    %dma_wait3A_360 = arith.constant 505 : i32
    %dma_wait3A_361 = arith.constant 0 : i32
    %dma_wait3A_362 = tpu.memref_slice %arg7[%dma_wait3A_360, %dma_wait3A_361] : memref<512x64xf32, #tpu.memory_space<vmem>> -> memref<1x64xf32, #tpu.memory_space<vmem>>
    %dma_wait3A_363 = tpu.memref_squeeze %dma_wait3A_362 : memref<1x64xf32, #tpu.memory_space<vmem>> -> memref<64xf32, #tpu.memory_space<vmem>>
    %dma_wait3A_364 = arith.constant 0 : i32
    %dma_wait3A_365 = tpu.memref_slice %arg2[%dma_wait3A_359, %dma_wait3A_364] : memref<1000000x64xf32, #tpu.memory_space<hbm>> -> memref<1x64xf32, #tpu.memory_space<hbm>>
    %dma_wait3A_366 = tpu.memref_squeeze %dma_wait3A_365 : memref<1x64xf32, #tpu.memory_space<hbm>> -> memref<64xf32, #tpu.memory_space<hbm>>
    %dma_wait3A_367 = arith.constant 0 : i32
    %dma_wait3A_368 = tpu.memref_slice %arg7[%dma_wait3A_360, %dma_wait3A_367] : memref<512x64xf32, #tpu.memory_space<vmem>> -> memref<1x64xf32, #tpu.memory_space<vmem>>
    %dma_wait3A_369 = tpu.memref_squeeze %dma_wait3A_368 : memref<1x64xf32, #tpu.memory_space<vmem>> -> memref<64xf32, #tpu.memory_space<vmem>>
    %dma_wait3A_370 = arith.constant 0 : i32
    %dma_wait3A_371 = tpu.memref_slice %arg2[%dma_wait3A_359, %dma_wait3A_370] : memref<1000000x64xf32, #tpu.memory_space<hbm>> -> memref<1x64xf32, #tpu.memory_space<hbm>>
    %dma_wait3A_372 = tpu.memref_squeeze %dma_wait3A_371 : memref<1x64xf32, #tpu.memory_space<hbm>> -> memref<64xf32, #tpu.memory_space<hbm>>
    tpu.wait_dma2 semaphore(%arg8 : memref<!tpu.dma_semaphore, #tpu.memory_space<semaphore_mem>>) src(%dma_wait3A_372 : memref<64xf32, #tpu.memory_space<hbm>>) dst(%dma_wait3A_369 : memref<64xf32, #tpu.memory_space<vmem>>)
    %dma_wait3A_373 = arith.constant 0 : i32
    %dma_wait3A_374 = arith.constant 506 : i32
    %dma_wait3A_375 = arith.constant 0 : i32
    %dma_wait3A_376 = tpu.memref_slice %arg7[%dma_wait3A_374, %dma_wait3A_375] : memref<512x64xf32, #tpu.memory_space<vmem>> -> memref<1x64xf32, #tpu.memory_space<vmem>>
    %dma_wait3A_377 = tpu.memref_squeeze %dma_wait3A_376 : memref<1x64xf32, #tpu.memory_space<vmem>> -> memref<64xf32, #tpu.memory_space<vmem>>
    %dma_wait3A_378 = arith.constant 0 : i32
    %dma_wait3A_379 = tpu.memref_slice %arg2[%dma_wait3A_373, %dma_wait3A_378] : memref<1000000x64xf32, #tpu.memory_space<hbm>> -> memref<1x64xf32, #tpu.memory_space<hbm>>
    %dma_wait3A_380 = tpu.memref_squeeze %dma_wait3A_379 : memref<1x64xf32, #tpu.memory_space<hbm>> -> memref<64xf32, #tpu.memory_space<hbm>>
    %dma_wait3A_381 = arith.constant 0 : i32
    %dma_wait3A_382 = tpu.memref_slice %arg7[%dma_wait3A_374, %dma_wait3A_381] : memref<512x64xf32, #tpu.memory_space<vmem>> -> memref<1x64xf32, #tpu.memory_space<vmem>>
    %dma_wait3A_383 = tpu.memref_squeeze %dma_wait3A_382 : memref<1x64xf32, #tpu.memory_space<vmem>> -> memref<64xf32, #tpu.memory_space<vmem>>
    %dma_wait3A_384 = arith.constant 0 : i32
    %dma_wait3A_385 = tpu.memref_slice %arg2[%dma_wait3A_373, %dma_wait3A_384] : memref<1000000x64xf32, #tpu.memory_space<hbm>> -> memref<1x64xf32, #tpu.memory_space<hbm>>
    %dma_wait3A_386 = tpu.memref_squeeze %dma_wait3A_385 : memref<1x64xf32, #tpu.memory_space<hbm>> -> memref<64xf32, #tpu.memory_space<hbm>>
    tpu.wait_dma2 semaphore(%arg8 : memref<!tpu.dma_semaphore, #tpu.memory_space<semaphore_mem>>) src(%dma_wait3A_386 : memref<64xf32, #tpu.memory_space<hbm>>) dst(%dma_wait3A_383 : memref<64xf32, #tpu.memory_space<vmem>>)
    %dma_wait3A_387 = arith.constant 0 : i32
    %dma_wait3A_388 = arith.constant 507 : i32
    %dma_wait3A_389 = arith.constant 0 : i32
    %dma_wait3A_390 = tpu.memref_slice %arg7[%dma_wait3A_388, %dma_wait3A_389] : memref<512x64xf32, #tpu.memory_space<vmem>> -> memref<1x64xf32, #tpu.memory_space<vmem>>
    %dma_wait3A_391 = tpu.memref_squeeze %dma_wait3A_390 : memref<1x64xf32, #tpu.memory_space<vmem>> -> memref<64xf32, #tpu.memory_space<vmem>>
    %dma_wait3A_392 = arith.constant 0 : i32
    %dma_wait3A_393 = tpu.memref_slice %arg2[%dma_wait3A_387, %dma_wait3A_392] : memref<1000000x64xf32, #tpu.memory_space<hbm>> -> memref<1x64xf32, #tpu.memory_space<hbm>>
    %dma_wait3A_394 = tpu.memref_squeeze %dma_wait3A_393 : memref<1x64xf32, #tpu.memory_space<hbm>> -> memref<64xf32, #tpu.memory_space<hbm>>
    %dma_wait3A_395 = arith.constant 0 : i32
    %dma_wait3A_396 = tpu.memref_slice %arg7[%dma_wait3A_388, %dma_wait3A_395] : memref<512x64xf32, #tpu.memory_space<vmem>> -> memref<1x64xf32, #tpu.memory_space<vmem>>
    %dma_wait3A_397 = tpu.memref_squeeze %dma_wait3A_396 : memref<1x64xf32, #tpu.memory_space<vmem>> -> memref<64xf32, #tpu.memory_space<vmem>>
    %dma_wait3A_398 = arith.constant 0 : i32
    %dma_wait3A_399 = tpu.memref_slice %arg2[%dma_wait3A_387, %dma_wait3A_398] : memref<1000000x64xf32, #tpu.memory_space<hbm>> -> memref<1x64xf32, #tpu.memory_space<hbm>>
    %dma_wait3A_400 = tpu.memref_squeeze %dma_wait3A_399 : memref<1x64xf32, #tpu.memory_space<hbm>> -> memref<64xf32, #tpu.memory_space<hbm>>
    tpu.wait_dma2 semaphore(%arg8 : memref<!tpu.dma_semaphore, #tpu.memory_space<semaphore_mem>>) src(%dma_wait3A_400 : memref<64xf32, #tpu.memory_space<hbm>>) dst(%dma_wait3A_397 : memref<64xf32, #tpu.memory_space<vmem>>)
    %dma_wait3A_401 = arith.constant 0 : i32
    %dma_wait3A_402 = arith.constant 508 : i32
    %dma_wait3A_403 = arith.constant 0 : i32
    %dma_wait3A_404 = tpu.memref_slice %arg7[%dma_wait3A_402, %dma_wait3A_403] : memref<512x64xf32, #tpu.memory_space<vmem>> -> memref<1x64xf32, #tpu.memory_space<vmem>>
    %dma_wait3A_405 = tpu.memref_squeeze %dma_wait3A_404 : memref<1x64xf32, #tpu.memory_space<vmem>> -> memref<64xf32, #tpu.memory_space<vmem>>
    %dma_wait3A_406 = arith.constant 0 : i32
    %dma_wait3A_407 = tpu.memref_slice %arg2[%dma_wait3A_401, %dma_wait3A_406] : memref<1000000x64xf32, #tpu.memory_space<hbm>> -> memref<1x64xf32, #tpu.memory_space<hbm>>
    %dma_wait3A_408 = tpu.memref_squeeze %dma_wait3A_407 : memref<1x64xf32, #tpu.memory_space<hbm>> -> memref<64xf32, #tpu.memory_space<hbm>>
    %dma_wait3A_409 = arith.constant 0 : i32
    %dma_wait3A_410 = tpu.memref_slice %arg7[%dma_wait3A_402, %dma_wait3A_409] : memref<512x64xf32, #tpu.memory_space<vmem>> -> memref<1x64xf32, #tpu.memory_space<vmem>>
    %dma_wait3A_411 = tpu.memref_squeeze %dma_wait3A_410 : memref<1x64xf32, #tpu.memory_space<vmem>> -> memref<64xf32, #tpu.memory_space<vmem>>
    %dma_wait3A_412 = arith.constant 0 : i32
    %dma_wait3A_413 = tpu.memref_slice %arg2[%dma_wait3A_401, %dma_wait3A_412] : memref<1000000x64xf32, #tpu.memory_space<hbm>> -> memref<1x64xf32, #tpu.memory_space<hbm>>
    %dma_wait3A_414 = tpu.memref_squeeze %dma_wait3A_413 : memref<1x64xf32, #tpu.memory_space<hbm>> -> memref<64xf32, #tpu.memory_space<hbm>>
    tpu.wait_dma2 semaphore(%arg8 : memref<!tpu.dma_semaphore, #tpu.memory_space<semaphore_mem>>) src(%dma_wait3A_414 : memref<64xf32, #tpu.memory_space<hbm>>) dst(%dma_wait3A_411 : memref<64xf32, #tpu.memory_space<vmem>>)
    %dma_wait3A_415 = arith.constant 0 : i32
    %dma_wait3A_416 = arith.constant 509 : i32
    %dma_wait3A_417 = arith.constant 0 : i32
    %dma_wait3A_418 = tpu.memref_slice %arg7[%dma_wait3A_416, %dma_wait3A_417] : memref<512x64xf32, #tpu.memory_space<vmem>> -> memref<1x64xf32, #tpu.memory_space<vmem>>
    %dma_wait3A_419 = tpu.memref_squeeze %dma_wait3A_418 : memref<1x64xf32, #tpu.memory_space<vmem>> -> memref<64xf32, #tpu.memory_space<vmem>>
    %dma_wait3A_420 = arith.constant 0 : i32
    %dma_wait3A_421 = tpu.memref_slice %arg2[%dma_wait3A_415, %dma_wait3A_420] : memref<1000000x64xf32, #tpu.memory_space<hbm>> -> memref<1x64xf32, #tpu.memory_space<hbm>>
    %dma_wait3A_422 = tpu.memref_squeeze %dma_wait3A_421 : memref<1x64xf32, #tpu.memory_space<hbm>> -> memref<64xf32, #tpu.memory_space<hbm>>
    %dma_wait3A_423 = arith.constant 0 : i32
    %dma_wait3A_424 = tpu.memref_slice %arg7[%dma_wait3A_416, %dma_wait3A_423] : memref<512x64xf32, #tpu.memory_space<vmem>> -> memref<1x64xf32, #tpu.memory_space<vmem>>
    %dma_wait3A_425 = tpu.memref_squeeze %dma_wait3A_424 : memref<1x64xf32, #tpu.memory_space<vmem>> -> memref<64xf32, #tpu.memory_space<vmem>>
    %dma_wait3A_426 = arith.constant 0 : i32
    %dma_wait3A_427 = tpu.memref_slice %arg2[%dma_wait3A_415, %dma_wait3A_426] : memref<1000000x64xf32, #tpu.memory_space<hbm>> -> memref<1x64xf32, #tpu.memory_space<hbm>>
    %dma_wait3A_428 = tpu.memref_squeeze %dma_wait3A_427 : memref<1x64xf32, #tpu.memory_space<hbm>> -> memref<64xf32, #tpu.memory_space<hbm>>
    tpu.wait_dma2 semaphore(%arg8 : memref<!tpu.dma_semaphore, #tpu.memory_space<semaphore_mem>>) src(%dma_wait3A_428 : memref<64xf32, #tpu.memory_space<hbm>>) dst(%dma_wait3A_425 : memref<64xf32, #tpu.memory_space<vmem>>)
    %dma_wait3A_429 = arith.constant 0 : i32
    %dma_wait3A_430 = arith.constant 510 : i32
    %dma_wait3A_431 = arith.constant 0 : i32
    %dma_wait3A_432 = tpu.memref_slice %arg7[%dma_wait3A_430, %dma_wait3A_431] : memref<512x64xf32, #tpu.memory_space<vmem>> -> memref<1x64xf32, #tpu.memory_space<vmem>>
    %dma_wait3A_433 = tpu.memref_squeeze %dma_wait3A_432 : memref<1x64xf32, #tpu.memory_space<vmem>> -> memref<64xf32, #tpu.memory_space<vmem>>
    %dma_wait3A_434 = arith.constant 0 : i32
    %dma_wait3A_435 = tpu.memref_slice %arg2[%dma_wait3A_429, %dma_wait3A_434] : memref<1000000x64xf32, #tpu.memory_space<hbm>> -> memref<1x64xf32, #tpu.memory_space<hbm>>
    %dma_wait3A_436 = tpu.memref_squeeze %dma_wait3A_435 : memref<1x64xf32, #tpu.memory_space<hbm>> -> memref<64xf32, #tpu.memory_space<hbm>>
    %dma_wait3A_437 = arith.constant 0 : i32
    %dma_wait3A_438 = tpu.memref_slice %arg7[%dma_wait3A_430, %dma_wait3A_437] : memref<512x64xf32, #tpu.memory_space<vmem>> -> memref<1x64xf32, #tpu.memory_space<vmem>>
    %dma_wait3A_439 = tpu.memref_squeeze %dma_wait3A_438 : memref<1x64xf32, #tpu.memory_space<vmem>> -> memref<64xf32, #tpu.memory_space<vmem>>
    %dma_wait3A_440 = arith.constant 0 : i32
    %dma_wait3A_441 = tpu.memref_slice %arg2[%dma_wait3A_429, %dma_wait3A_440] : memref<1000000x64xf32, #tpu.memory_space<hbm>> -> memref<1x64xf32, #tpu.memory_space<hbm>>
    %dma_wait3A_442 = tpu.memref_squeeze %dma_wait3A_441 : memref<1x64xf32, #tpu.memory_space<hbm>> -> memref<64xf32, #tpu.memory_space<hbm>>
    tpu.wait_dma2 semaphore(%arg8 : memref<!tpu.dma_semaphore, #tpu.memory_space<semaphore_mem>>) src(%dma_wait3A_442 : memref<64xf32, #tpu.memory_space<hbm>>) dst(%dma_wait3A_439 : memref<64xf32, #tpu.memory_space<vmem>>)
    %dma_wait3A_443 = arith.constant 0 : i32
    %dma_wait3A_444 = arith.constant 511 : i32
    %dma_wait3A_445 = arith.constant 0 : i32
    %dma_wait3A_446 = tpu.memref_slice %arg7[%dma_wait3A_444, %dma_wait3A_445] : memref<512x64xf32, #tpu.memory_space<vmem>> -> memref<1x64xf32, #tpu.memory_space<vmem>>
    %dma_wait3A_447 = tpu.memref_squeeze %dma_wait3A_446 : memref<1x64xf32, #tpu.memory_space<vmem>> -> memref<64xf32, #tpu.memory_space<vmem>>
    %dma_wait3A_448 = arith.constant 0 : i32
    %dma_wait3A_449 = tpu.memref_slice %arg2[%dma_wait3A_443, %dma_wait3A_448] : memref<1000000x64xf32, #tpu.memory_space<hbm>> -> memref<1x64xf32, #tpu.memory_space<hbm>>
    %dma_wait3A_450 = tpu.memref_squeeze %dma_wait3A_449 : memref<1x64xf32, #tpu.memory_space<hbm>> -> memref<64xf32, #tpu.memory_space<hbm>>
    %dma_wait3A_451 = arith.constant 0 : i32
    %dma_wait3A_452 = tpu.memref_slice %arg7[%dma_wait3A_444, %dma_wait3A_451] : memref<512x64xf32, #tpu.memory_space<vmem>> -> memref<1x64xf32, #tpu.memory_space<vmem>>
    %dma_wait3A_453 = tpu.memref_squeeze %dma_wait3A_452 : memref<1x64xf32, #tpu.memory_space<vmem>> -> memref<64xf32, #tpu.memory_space<vmem>>
    %dma_wait3A_454 = arith.constant 0 : i32
    %dma_wait3A_455 = tpu.memref_slice %arg2[%dma_wait3A_443, %dma_wait3A_454] : memref<1000000x64xf32, #tpu.memory_space<hbm>> -> memref<1x64xf32, #tpu.memory_space<hbm>>
    %dma_wait3A_456 = tpu.memref_squeeze %dma_wait3A_455 : memref<1x64xf32, #tpu.memory_space<hbm>> -> memref<64xf32, #tpu.memory_space<hbm>>
    tpu.wait_dma2 semaphore(%arg8 : memref<!tpu.dma_semaphore, #tpu.memory_space<semaphore_mem>>) src(%dma_wait3A_456 : memref<64xf32, #tpu.memory_space<hbm>>) dst(%dma_wait3A_453 : memref<64xf32, #tpu.memory_space<vmem>>)
    "tpu.region"() ({
      %run_scoped3A = tpu.sem_alloc : memref<!tpu.dma_semaphore, #tpu.memory_space<semaphore_mem>>
      %dma_start3A = arith.constant 0 : i32
      %dma_start3A_457 = tpu.memref_slice %arg4[%mul3A_2, %dma_start3A] : memref<16384x64xf32, #tpu.memory_space<hbm>> -> memref<512x64xf32, #tpu.memory_space<hbm>>
      %dma_start3A_458 = arith.constant 0 : i32
      %dma_start3A_459 = tpu.memref_slice %arg4[%mul3A_2, %dma_start3A_458] : memref<16384x64xf32, #tpu.memory_space<hbm>> -> memref<512x64xf32, #tpu.memory_space<hbm>>
      tpu.enqueue_dma source(%arg7 : memref<512x64xf32, #tpu.memory_space<vmem>>) target(%dma_start3A_459 : memref<512x64xf32, #tpu.memory_space<hbm>>) target_semaphore(%run_scoped3A : memref<!tpu.dma_semaphore, #tpu.memory_space<semaphore_mem>>)
      %dma_wait3A_460 = arith.constant 0 : i32
      %dma_wait3A_461 = tpu.memref_slice %arg4[%mul3A_2, %dma_wait3A_460] : memref<16384x64xf32, #tpu.memory_space<hbm>> -> memref<512x64xf32, #tpu.memory_space<hbm>>
      %dma_wait3A_462 = arith.constant 0 : i32
      %dma_wait3A_463 = tpu.memref_slice %arg4[%mul3A_2, %dma_wait3A_462] : memref<16384x64xf32, #tpu.memory_space<hbm>> -> memref<512x64xf32, #tpu.memory_space<hbm>>
      tpu.wait_dma2 semaphore(%run_scoped3A : memref<!tpu.dma_semaphore, #tpu.memory_space<semaphore_mem>>) src(%arg7 : memref<512x64xf32, #tpu.memory_space<vmem>>) dst(%dma_wait3A_463 : memref<512x64xf32, #tpu.memory_space<hbm>>)
      tpu.yield
    }) : () -> ()
    return
  }
}

</mosaic_0001>

<sc_bundles>
// kernel: kernel.3.cloned.1.call-start
scs
__scs_entry_jumppad:
0x0: {  	(pc) =	sbr.rel $0x88, $3  }
0x1: {  	(tag) =	ssettag $0x0;
	lr =	simm.s32 $0x1  }
0x2: {  	[smem:$0x3F9F] =	sst lr;
	_ =	strace $0xD0000000  }
0x3: {  	_ = 	snop  }
0x4: {  	_ = 	snop  }
0x5: {  	_ = 	snop  }
0x6: {  	_ = 	snop  }
0x7: {  	_ = 	snop  }
__scs_overlays_trampoline_lowered:
0x8: {  	[smem:$0x3FAE] =	sst s0  }
0x9: {  	[smem:$0x3FAF] =	sst s1  }
0xa: {  	[smem:$0x3FB0] =	sst s2  }
0xb: {  	[smem:$0x3FB1] =	sst s3  }
0xc: {  	[smem:$0x3FB2] =	sst s4  }
0xd: {  	[smem:$0x3FB3] =	sst s5  }
0xe: {  	[smem:$0x3FB4] =	sst s6  }
0xf: {  	[smem:$0x3FB5] =	sst s7  }
0x10: {  	[smem:$0x3FB6] =	sst s8  }
0x11: {  	[smem:$0x3FB7] =	sst s9;
	s0 =	simm.s32 @!p0 $0x0  }
0x12: {  	s1 =	sld [smem:$0x3F9D];
	s0 =	simm.s32 @p0 $0x1  }
0x13: {  	[smem:$0x3FB8] =	sst s0;
	s0 =	simm.s32 @!p1 $0x0  }
0x14: {  	s2 =	sld [smem:$0x3F9C];
	s0 =	simm.s32 @p1 $0x1  }
0x15: {  	[smem:$0x3FB9] =	sst s0;
	s0 =	simm.s32 @!p2 $0x0  }
0x16: {  	s3 =	sld [smem:$0x3FDB];
	s0 =	simm.s32 @p2 $0x1  }
0x17: {  	s4 =	simm.s32 $0x1BF5;
	[smem:$0x3FBB] =	sst s0  }
0x18: {  	s0 =	sld [smem:$0x3F9E];
	_ =	swait.ge [sflag:s4], $0x0  }
0x19: {  	s7 =	sld [smem:$0x3F9F]  }
0x1a: {  	s8 =	sadd.s32 $0xFFFFE003, lr  }
0x1b: {  	s9 =	sadd.s32 $0xFFFFFEF7, lr;
	s5 =	simm.s32 $0xFFFFFFFF;
	p2 =	slt.u32 s8, $0xFFFFF086  }
0x1c: {  	p1 =	slt.u32 s9, $0xF7A;
	s5 =	simm.s32 @!p2 $0x0  }
0x1d: {  	s5 =	simm.s32 @p1 $0x1;
	p0 =	seq.s32 s7, s2  }
0x1e: {  	s7 =	smul.u32 @!p0 $0xF7A, s2;
	p2 =	seq.s32 @!p0 s5, $0x0  }
0x1f: {  	s9 =	smul.u32 $0xF7A, s1;
	s8 =	simm.s32 @!p0 $0x1BF5;
	p2 =	por !p2, p0  }
0x20: {  	[sflag:s8] =	ssyncset.s32 @!p0 $0xFFFFF086;
	s6 =	sadd.s32 @!p0 s3, s7;
	s7 =	simm.s32 @!p0 $0x108  }
0x21: {  	s3 =	sadd.s32 s3, s9;
	s6 =	sadd.s32 @!p0 $0x88, s6;
	s7 =	simm.s32 @p2 $0x1082  }
0x22: {  	[simem:s7], [sflag:s8] =	dma.local @!p0 [hbm:s6], $0xF7A  }
0x23: {  	s9 =	sor.u32 $0xD0000000, s2;
	s6 =	simm.s32 $0x108;
	_ =	swait.ge @!p0 [sflag:s8], $0x0  }
0x24: {  	s3 =	sadd.s32 $0x88, s3;
	s6 =	simm.s32 @!p1 $0x1082;
	[sflag:s4] =	ssyncset.s32 $0xFFFFF086  }
0x25: {  	[simem:s6], [sflag:s4] =	dma.local [hbm:s3], $0xF7A  }
0x26: {  	[smem:$0x3F9F] =	sst s1;
	(tag) =	ssettag s2;
	_ =	strace s9  }
0x27: {  	s1 =	sld [smem:$0x3FAF]  }
0x28: {  	s2 =	sld [smem:$0x3FB0]  }
0x29: {  	s4 =	sld [smem:$0x3FB2]  }
0x2a: {  	p0 =	seq.s32 s5, $0x0;
	s5 =	sld [smem:$0x3FB3]  }
0x2b: {  	s6 =	sld [smem:$0x3FB4]  }
0x2c: {  	s7 =	sld [smem:$0x3FB5]  }
0x2d: {  	s3 =	simm.s32 $0x108;
	s8 =	sld [smem:$0x3FB6]  }
0x2e: {  	s3 =	simm.s32 @!p0 $0x1082;
	s9 =	sld [smem:$0x3FB7]  }
0x2f: {  	lr =	sadd.s32 s0, s3;
	s0 =	sld [smem:$0x3FAE]  }
0x30: {  	s3 =	sld [smem:$0x3FB1]  }
0x31: {  	[smem:$0x3FBA] =	sst s10  }
0x32: {  	s10 =	sld [smem:$0x3FB8];
	_ =	sdelay $0x3  }
0x33: {  	p0 =	seq.s32 s10, $0x1;
	s10 =	sld [smem:$0x3FBA];
	_ =	sdelay $0x3  }
0x34: {  	[smem:$0x3FBA] =	sst s10  }
0x35: {  	s10 =	sld [smem:$0x3FB9];
	_ =	sdelay $0x3  }
0x36: {  	p1 =	seq.s32 s10, $0x1;
	s10 =	sld [smem:$0x3FBA];
	_ =	sdelay $0x3  }
0x37: {  	[smem:$0x3FBA] =	sst s10  }
0x38: {  	s10 =	sld [smem:$0x3FBB]  }
0x39: {  	_ = 	snop;
	(pc) =	sbr.ind lr, $3  }
0x3a: {  	_ = 	snop  }
0x3b: {  	_ = 	snop  }
0x3c: {  	p2 =	seq.s32 s10, $0x1;
	s10 =	sld [smem:$0x3FBA]  }
0x3d: {  	_ =	shalt  }
0x3e: {  	_ =	shalt  }
0x3f: {  	_ =	shalt  }
0x40: {  	_ =	shalt  }
0x41: {  	_ =	shalt  }
0x42: {  	_ =	shalt  }
0x43: {  	_ =	shalt  }
0x44: {  	_ =	shalt  }
0x45: {  	_ =	shalt  }
0x46: {  	_ =	shalt  }
0x47: {  	_ =	shalt  }
0x48: {  	_ =	shalt  }
0x49: {  	_ =	shalt  }
0x4a: {  	_ =	shalt  }
0x4b: {  	_ =	shalt  }
0x4c: {  	_ =	shalt  }
0x4d: {  	_ =	shalt  }
0x4e: {  	_ =	shalt  }
0x4f: {  	_ =	shalt  }
0x50: {  	_ =	shalt  }
0x51: {  	_ =	shalt  }
0x52: {  	_ =	shalt  }
0x53: {  	_ =	shalt  }
0x54: {  	_ =	shalt  }
0x55: {  	_ =	shalt  }
0x56: {  	_ =	shalt  }
0x57: {  	_ =	shalt  }
0x58: {  	_ =	shalt  }
0x59: {  	_ =	shalt  }
0x5a: {  	_ =	shalt  }
0x5b: {  	_ =	shalt  }
0x5c: {  	_ =	shalt  }
0x5d: {  	_ =	shalt  }
0x5e: {  	_ =	shalt  }
0x5f: {  	_ =	shalt  }
0x60: {  	_ =	shalt  }
0x61: {  	_ =	shalt  }
0x62: {  	_ =	shalt  }
0x63: {  	_ =	shalt  }
0x64: {  	_ =	shalt  }
0x65: {  	_ =	shalt  }
0x66: {  	_ =	shalt  }
0x67: {  	_ =	shalt  }
0x68: {  	_ =	shalt  }
0x69: {  	_ =	shalt  }
0x6a: {  	_ =	shalt  }
0x6b: {  	_ =	shalt  }
0x6c: {  	_ =	shalt  }
0x6d: {  	_ =	shalt  }
0x6e: {  	_ =	shalt  }
0x6f: {  	_ =	shalt  }
0x70: {  	_ =	shalt  }
0x71: {  	_ =	shalt  }
0x72: {  	_ =	shalt  }
0x73: {  	_ =	shalt  }
0x74: {  	_ =	shalt  }
0x75: {  	_ =	shalt  }
0x76: {  	_ =	shalt  }
0x77: {  	_ =	shalt  }
0x78: {  	_ =	shalt  }
0x79: {  	_ =	shalt  }
0x7a: {  	_ =	shalt  }
0x7b: {  	_ =	shalt  }
0x7c: {  	_ =	shalt  }
0x7d: {  	_ =	shalt  }
0x7e: {  	_ =	shalt  }
0x7f: {  	_ =	shalt  }
0x80: {  	_ =	shalt  }
0x81: {  	_ =	shalt  }
0x82: {  	_ =	shalt  }
0x83: {  	_ =	shalt  }
0x84: {  	_ =	shalt  }
0x85: {  	_ =	shalt  }
0x86: {  	_ =	shalt  }
0x87: {  	_ =	shalt  }
.Lfunc_end0:
.L_simem_size_0:
called_computation_lowered:
.L_overlay_start_0:
0x88: {  	s2 =	sld [smem:$0x3FD9]  }
0x89: {  	s3 =	sld [smem:$0x3FFE];
	_ =	sdelay $0x1  }
0x8a: {  	s1 =	srdreg.scid  }
0x8b: {  	s0 =	sand.u32 $0x1, s1  }
0x8c: {  	s17 =	sshll.u32 s0, $0xA;
	s2 =	sadd.s32 s3, s2  }
0x8d: {  	s2 =	sadd.s32 s2, s17  }
0x8e: {  	[smem:$0x3FC6] =	sst s2  }
0x8f: {  	_ = 	snop  }
0x90: {  	s2 =	sld [smem:$0x3FC9];
	(tm) =	ssettm $0x1  }
0x91: {  	s18 =	sld [smem:$0x3FFB];
	_ =	sdelay $0x3  }
0x92: {  	_ =	strace s18  }
0x93: {  	s3 =	sld [smem:$0x3FFC];
	_ =	sdelay $0x3  }
0x94: {  	_ =	strace s3  }
0x95: {  	s3 =	sld [smem:$0x3FFD];
	_ =	sdelay $0x3  }
0x96: {  	_ =	strace s3  }
0x97: {  	_ =	strace $0x8FFFFFFF  }
0x98: {  	s19 =	sld [smem:$0x3FDB];
	_ =	sdelay $0x1  }
0x99: {  	s4 =	simm.s32 $_scs_section_size  }
0x9a: {  	s5 =	simm.s32 $_size__tile_overlayer_lowered;
	s6 =	simm.s32 $_tile_overlayer_lowered  }
0x9b: {  	s22 =	simm.s32 $0x1BFF;
	s21 =	sshll.u32 s6, $0x1;
	s3 =	sadd.s32 s4, s19  }
0x9c: {  	s7 =	simm.s32 $0x0;
	s20 =	sshll.u32 s5, $0x1;
	s5 =	sadd.s32 s21, s3  }
0x9d: {  	[timem:s7], [sflag:s22] =	dma.local [hbm:s5], s20  }
0x9e: {  	_ =	swait.ge [sflag:s22], s20  }
0x9f: {  	s4 =	ssub.s32 $0x0, s20;
	[sflag:s22] =	ssyncset.done $0x0  }
0xa0: {  	[sflag:s22] =	ssyncadd.s32 s4;
	_ =	sdelay $0x1  }
0xa1: {  	s23 =	simm.s32 $0x1B8B  }
0xa2: {  	_ =	swait.ge [sflag:s23], $0x1  }
0xa3: {  	[sflag:s23] =	ssyncset.done $0x0  }
0xa4: {  	s25 =	simm.s32 $0x1B8E;
	s24 =	sld [smem:$0x3FFE];
	[sflag:s23] =	ssyncadd.s32 $0xFFFFFFFF  }
0xa5: {  	s26 =	simm.s32 $execute0_lowered;
	[smem:$0x3FD2] =	sst s25  }
0xa6: {  	s5 =	sshll.u32 s26, $0x1;
	_ =	strace $0x80000046;
	[dreg:$0x1] =	wrdreg $0xFFFFFFFF  }
0xa7: {  	s28 =	simm.s32 $_size_execute0_lowered;
	s3 =	sadd.s32 s3, s5;
	[dreg:$0x0] =	wrdreg $0x0  }
0xa8: {  	s5 =	sshll.u32 s28, $0x1;
	[dreg:$0x2] =	wrdreg s3  }
0xa9: {  	[dreg:$0x3] =	wrdreg s5  }
0xaa: {  	[dreg:$0x4] =	wrdreg $0xC0  }
0xab: {  	_ =	task [dreg:s7], $0x5FFFF  }
0xac: {  	[dreg:$0x1] =	wrdreg $0xFFFFFFFF  }
0xad: {  	[dreg:$0x0] =	wrdreg $0x60  }
0xae: {  	[dreg:$0x2] =	wrdreg s24  }
0xaf: {  	[dreg:$0x3] =	wrdreg s2  }
0xb0: {  	[dreg:$0x4] =	wrdreg $0x0  }
0xb1: {  	[dreg:$0x5] =	wrdreg $0x9  }
0xb2: {  	_ =	task.clear_ibuf [dreg:s7], $0x6FFFF;
	_ =	strace $0x90000046  }
0xb3: {  	s29 =	simm.s32 $0x9;
	_ =	strace $0x80000048  }
0xb4: {  	_ =	swait.ge [sflag:s29], $0x1  }
0xb5: {  	[sflag:s29] =	ssyncadd.s32 $0xFFFFFFFF  }
0xb6: {  	_ =	strace $0x90000048  }
0xb7: {  	_ =	sfence  }
0xb8: {  	s30 =	sld [smem:$0x0];
	_ =	sdelay $0x2  }
0xb9: {  	s31 =	sshll.u32 s1, $0xD;
	s1 =	sshrl.u32 s1, $0x2  }
0xba: {  	s3 =	sand.u32 $0x4000, s31;
	s1 =	sadd.s32 s1, s30  }
0xbb: {  	s0 =	sor.u32 s3, s0;
	s1 =	sshll.u32 s1, $0x11  }
0xbc: {  	s0 =	sor.u32 s1, s0  }
0xbd: {  	s0 =	sadd.s32 $0x8F2B, s0  }
0xbe: {  	[sflag:s0] =	ssyncadd.remote.s32 $0x1  }
0xbf: {  	_ =	sfence.sel $0xFFFF  }
0xc0: {  	[dreg:$0x0] =	wrdreg $0xFFFFFFFF;
	(pc) =	sbr.abs _section_cstart, $3  }
0xc1: {  	[dreg:$0x1] =	wrdreg $0xFFFFFFFF  }
0xc2: {  	_ =	task.clear_ibuf [dreg:s7], $0x2FFFF;
	_ =	strace $0x9FFFFFFF  }
0xc3: {  	(tm) =	ssettm $0x7FFFFFFF  }
tec
execute0_lowered:
.L_overlay_start_1:
0x0: {  	(tag) =	ssettag $0x1  }
0x1: {  	s4 =	rddreg [dreg:$0x0]  }
0x2: {  	s7 =	rddreg [dreg:$0x2]  }
0x3: {  	s2 =	srdreg.scid;
	s6 =	stileid.u32  }
0x4: {  	s11 =	simm.s32 $0x0;
	s3 =	sand.u32 $0x1, s2;
	s2 =	simm.s32 $0x0  }
0x5: {  	s5 =	sshll.u32 s6, $0xA;
	p0 =	sne.s32 s6, $0x0;
	s8 =	sshll.u32 s3, $0x9  }
0x6: {  	[smem:$0x7FF] =	sst s2;
	s29 =	ssub.s32 $0x2, s3;
	s3 =	sadd.s32 $0x400, s4  }
0x7: {  	s5 =	sor.u32 s8, s5;
	_ =	strace $0x80000047;
	s10 =	sshrl.u32 s29, $0x1  }
0x8: {  	s9 =	sshll.u32 s5, $0x4;
	s8 =	ssub.s32 s29, s10;
	s0 =	sadd.s32 s5, s7  }
0x9: {  	s9 =	sadd.s32 s9, s4;
	[dreg:$0x4] =	wrdreg s0;
	s31 =	smax.u32 s8, $0x1  }
0xa: {  	s7 =	sshrl.u32 @!p0 s7, $0x3;
	s30 =	sadd.s32 $0xF42800, s9;
	[dreg:$0x6] =	wrdreg s31  }
0xb: {  	s8 =	simm.s32 $0x2;
	s9 =	simm.s32 $0x1;
	[dreg:$0x5] =	wrdreg s30  }
.LBB2_1:
0xc: {  	s12 =	simm.s32 @!p0 $0x1C02;
	s0 =	rddreg [dreg:$0x1]  }
0xd: {  	[spmem:s7], [sflag:s12] =	dma.local @!p0 [hbm:s0], $0x800  }
0xe: {  	s12 =	simm.s32 @!p0 $0x2  }
0xf: {  	_ =	swait.ge @!p0 [sflag:s12], $0x800  }
0x10: {  	[sflag:s12] =	ssyncset.done @!p0 $0x0  }
0x11: {  	[sflag:s12] =	ssyncadd.s32 @!p0 $0xFFFFF800  }
0x12: {  	[bflag:$0x0] =	sbarrier.arrive $0xFFFF  }
0x13: {  	s30 =	rddreg [dreg:$0x4]  }
0x14: {  	[smem:s2], [sflag:$0x2] =	stream.linear.gather [spmem:s30], $0x200, $0x38;
	[tilespmem:$0x10400] =	vst v63  }
0x15: {  	_ =	swait.ge [sflag:s8], $0x200  }
0x16: {  	[sflag:s8] =	ssyncset.done $0x0  }
0x17: {  	[sflag:s8] =	ssyncadd.s32 $0xFFFFFE00  }
0x18: {  	s17 =	simm.s32 $0x400;
	s13 =	sld [smem:$0x4]  }
0x19: {  	s4 =	simm.s32 $0x480;
	s6 =	simm.s32 $0x500;
	s31 =	sld [smem:$0x0]  }
0x1a: {  	s10 =	simm.s32 $0x580;
	s23 =	simm.s32 $0x700;
	s14 =	sld [smem:$0x1]  }
0x1b: {  	s25 =	simm.s32 $0x780;
	s30 =	simm.s32 $0x800;
	s15 =	sld [smem:$0x3]  }
0x1c: {  	s13 =	sshll.u32 s13, $0x4;
	s12 =	sshll.u32 s31, $0x4;
	s16 =	sld [smem:$0x5]  }
0x1d: {  	s13 =	sand.u32 $0x1FFFFFF0, s13;
	s12 =	sand.u32 $0x1FFFFFF0, s12;
	s18 =	sld [smem:$0x2]  }
0x1e: {  	s14 =	sshll.u32 s14, $0x4;
	s12 =	sadd.s32 s3, s12;
	s19 =	sld [smem:$0x7]  }
0x1f: {  	[tilespmem:s17], [sflag:$0x1] =	stream.linear.gather [hbm4b:s12+s2], $0x80, $0x38;
	[tilespmem:$0x10400] =	vst v63  }
0x20: {  	s0 =	sand.u32 $0x1FFFFFF0, s14;
	s15 =	sshll.u32 s15, $0x4;
	s1 =	sld [smem:$0x6]  }
0x21: {  	s20 =	sadd.s32 s3, s0;
	s5 =	sshll.u32 s18, $0x4;
	s12 =	sld [smem:$0xF]  }
0x22: {  	[tilespmem:s4], [sflag:$0x1] =	stream.linear.gather [hbm4b:s20+s2], $0x80, $0x38;
	[tilespmem:$0x10400] =	vst v63  }
0x23: {  	s13 =	sadd.s32 s3, s13;
	s15 =	sand.u32 $0x1FFFFFF0, s15;
	s17 =	sand.u32 $0x1FFFFFF0, s5  }
0x24: {  	s16 =	sshll.u32 s16, $0x4;
	s15 =	sadd.s32 s3, s15;
	s17 =	sadd.s32 s3, s17  }
0x25: {  	[tilespmem:s6], [sflag:$0x1] =	stream.linear.gather [hbm4b:s17+s2], $0x80, $0x38;
	[tilespmem:$0x10400] =	vst v63  }
0x26: {  	s18 =	simm.s32 $0x600;
	s21 =	sand.u32 $0x1FFFFFF0, s16;
	s20 =	simm.s32 $0x680  }
0x27: {  	[tilespmem:s10], [sflag:$0x1] =	stream.linear.gather [hbm4b:s15+s2], $0x80, $0x38;
	[tilespmem:$0x10400] =	vst v63  }
0x28: {  	s24 =	sshll.u32 s19, $0x4;
	s14 =	sshll.u32 s1, $0x4;
	s17 =	sld [smem:$0x8]  }
0x29: {  	[tilespmem:s18], [sflag:$0x1] =	stream.linear.gather [hbm4b:s13+s2], $0x80, $0x38;
	[tilespmem:$0x10400] =	vst v63  }
0x2a: {  	s14 =	sand.u32 $0x1FFFFFF0, s14;
	s15 =	sadd.s32 s3, s21;
	s22 =	sld [smem:$0x9]  }
0x2b: {  	[tilespmem:s20], [sflag:$0x1] =	stream.linear.gather [hbm4b:s15+s2], $0x80, $0x38;
	[tilespmem:$0x10400] =	vst v63  }
0x2c: {  	s26 =	sand.u32 $0x1FFFFFF0, s24;
	s14 =	sadd.s32 s3, s14;
	s18 =	sld [smem:$0xE]  }
0x2d: {  	[tilespmem:s23], [sflag:$0x1] =	stream.linear.gather [hbm4b:s14+s2], $0x80, $0x38;
	[tilespmem:$0x10400] =	vst v63  }
0x2e: {  	s14 =	sadd.s32 s3, s26;
	s28 =	sshll.u32 s17, $0x4;
	s29 =	sld [smem:$0xA]  }
0x2f: {  	[tilespmem:s25], [sflag:$0x1] =	stream.linear.gather [hbm4b:s14+s2], $0x80, $0x38;
	[tilespmem:$0x10400] =	vst v63  }
0x30: {  	s4 =	simm.s32 $0x880;
	s31 =	sand.u32 $0x1FFFFFF0, s28;
	s0 =	sshll.u32 s22, $0x4  }
0x31: {  	s1 =	sld [smem:$0xB];
	s14 =	sadd.s32 s3, s31;
	s5 =	sand.u32 $0x1FFFFFF0, s0  }
0x32: {  	[tilespmem:s30], [sflag:$0x1] =	stream.linear.gather [hbm4b:s14+s2], $0x80, $0x38;
	[tilespmem:$0x10400] =	vst v63  }
0x33: {  	s14 =	sadd.s32 s3, s5;
	s6 =	sshll.u32 s29, $0x4;
	s10 =	sld [smem:$0xC]  }
0x34: {  	[tilespmem:s4], [sflag:$0x1] =	stream.linear.gather [hbm4b:s14+s2], $0x80, $0x38;
	[tilespmem:$0x10400] =	vst v63  }
0x35: {  	s20 =	simm.s32 $0x900;
	s19 =	sand.u32 $0x1FFFFFF0, s6  }
0x36: {  	s22 =	sshll.u32 s1, $0x4;
	s21 =	sld [smem:$0xD];
	s13 =	sadd.s32 s3, s19  }
0x37: {  	[tilespmem:s20], [sflag:$0x1] =	stream.linear.gather [hbm4b:s13+s2], $0x80, $0x38;
	[tilespmem:$0x10400] =	vst v63  }
0x38: {  	s13 =	sand.u32 $0x1FFFFFF0, s22  }
0x39: {  	s23 =	simm.s32 $0x980;
	s13 =	sadd.s32 s3, s13;
	s24 =	sshll.u32 s10, $0x4  }
0x3a: {  	[tilespmem:s23], [sflag:$0x1] =	stream.linear.gather [hbm4b:s13+s2], $0x80, $0x38;
	[tilespmem:$0x10400] =	vst v63  }
0x3b: {  	p1 =	por $0x1, $0x1;
	s13 =	sand.u32 $0x1FFFFFF0, s24  }
0x3c: {  	s25 =	simm.s32 $0xA00;
	s26 =	sshll.u32 s21, $0x4;
	s13 =	sadd.s32 s3, s13  }
0x3d: {  	[tilespmem:s25], [sflag:$0x1] =	stream.linear.gather [hbm4b:s13+s2], $0x80, $0x38;
	[tilespmem:$0x10400] =	vst v63  }
0x3e: {  	s12 =	sshll.u32 s12, $0x4;
	s28 =	sshll.u32 s18, $0x4;
	s13 =	sand.u32 $0x1FFFFFF0, s26  }
0x3f: {  	s29 =	simm.s32 $0xA80;
	s14 =	sand.u32 $0x1FFFFFF0, s28;
	s13 =	sadd.s32 s3, s13  }
0x40: {  	[tilespmem:s29], [sflag:$0x1] =	stream.linear.gather [hbm4b:s13+s2], $0x80, $0x38;
	[tilespmem:$0x10400] =	vst v63  }
0x41: {  	s12 =	sand.u32 $0x1FFFFFF0, s12;
	s30 =	simm.s32 $0xB00;
	s14 =	sadd.s32 s3, s14  }
0x42: {  	[tilespmem:s30], [sflag:$0x1] =	stream.linear.gather [hbm4b:s14+s2], $0x80, $0x38;
	[tilespmem:$0x10400] =	vst v63  }
0x43: {  	s16 =	simm.s32 @!p1 $0x1;
	s12 =	sadd.s32 s3, s12;
	s31 =	simm.s32 $0xB80  }
0x44: {  	[tilespmem:s31], [sflag:$0x1] =	stream.linear.gather [hbm4b:s12+s2], $0x80, $0x38;
	[tilespmem:$0x10400] =	vst v63  }
0x45: {  	_ =	swait.ge @!p1 [sflag:s16], $0x80  }
0x46: {  	s13 =	simm.s32 $0x18;
	[sflag:s16] =	ssyncset.done @!p1 $0x0  }
0x47: {  	s14 =	simm.s32 $0x0;
	s12 =	simm.s32 $0x2000;
	[sflag:s16] =	ssyncadd.s32 @!p1 $0xFFFFFF80  }
.LBB2_2:
0x48: {  	_ =	swait.ge @!p1 [sflag:s16], $0x80  }
0x49: {  	s14 =	sadd.s32 $0x1, s14;
	s15 =	smov.u32 s12;
	s12 =	sadd.s32 $0x2000, s12  }
0x4a: {  	p2 =	sne.s32 s12, $0x40000;
	[sflag:s16] =	ssyncset.done @!p1 $0x0  }
0x4b: {  	[sflag:s16] =	ssyncadd.s32 @!p1 $0xFFFFFF80  }
0x4c: {  	_ =	swait.ge @!p1 [sflag:s16], $0x80  }
0x4d: {  	[sflag:s16] =	ssyncset.done @!p1 $0x0  }
0x4e: {  	[sflag:s16] =	ssyncadd.s32 @!p1 $0xFFFFFF80  }
0x4f: {  	_ =	swait.ge @!p1 [sflag:s16], $0x80  }
0x50: {  	[sflag:s16] =	ssyncset.done @!p1 $0x0  }
0x51: {  	[sflag:s16] =	ssyncadd.s32 @!p1 $0xFFFFFF80  }
0x52: {  	_ =	swait.ge @!p1 [sflag:s16], $0x80  }
0x53: {  	s15 =	sshra.s32 s15, $0x2;
	[sflag:s16] =	ssyncset.done @!p1 $0x0  }
0x54: {  	s20 =	sadd.s32 $0x400, s15;
	[sflag:s16] =	ssyncadd.s32 @!p1 $0xFFFFFF80  }
0x55: {  	s18 =	sadd.s32 $0x480, s15;
	_ =	swait.ge @!p1 [sflag:s16], $0x80  }
0x56: {  	[sflag:s16] =	ssyncset.done @!p1 $0x0  }
0x57: {  	[sflag:s16] =	ssyncadd.s32 @!p1 $0xFFFFFF80  }
0x58: {  	_ =	swait.ge @!p1 [sflag:s16], $0x80  }
0x59: {  	[sflag:s16] =	ssyncset.done @!p1 $0x0  }
0x5a: {  	[sflag:s16] =	ssyncadd.s32 @!p1 $0xFFFFFF80  }
0x5b: {  	s17 =	sadd.s32 $0x680, s15;
	_ =	swait.ge @!p1 [sflag:s16], $0x80  }
0x5c: {  	[sflag:s16] =	ssyncset.done @!p1 $0x0  }
0x5d: {  	[sflag:s16] =	ssyncadd.s32 @!p1 $0xFFFFFF80  }
0x5e: {  	_ =	swait.ge @!p1 [sflag:s16], $0x80  }
0x5f: {  	s22 =	sadd.s32 $0x500, s15;
	[sflag:s16] =	ssyncset.done @!p1 $0x0  }
0x60: {  	[sflag:s16] =	ssyncadd.s32 @!p1 $0xFFFFFF80  }
0x61: {  	_ =	swait.ge @!p1 [sflag:s16], $0x80  }
0x62: {  	[sflag:s16] =	ssyncset.done @!p1 $0x0  }
0x63: {  	[sflag:s16] =	ssyncadd.s32 @!p1 $0xFFFFFF80  }
0x64: {  	_ =	swait.ge @!p1 [sflag:s16], $0x80  }
0x65: {  	s24 =	sadd.s32 $0x580, s15;
	s23 =	sadd.s32 $0x600, s15;
	[sflag:s16] =	ssyncset.done @!p1 $0x0  }
0x66: {  	[sflag:s16] =	ssyncadd.s32 @!p1 $0xFFFFFF80  }
0x67: {  	_ =	swait.ge @!p1 [sflag:s16], $0x80  }
0x68: {  	[sflag:s16] =	ssyncset.done @!p1 $0x0  }
0x69: {  	[sflag:s16] =	ssyncadd.s32 @!p1 $0xFFFFFF80  }
0x6a: {  	_ =	swait.ge @!p1 [sflag:s16], $0x80  }
0x6b: {  	[sflag:s16] =	ssyncset.done @!p1 $0x0  }
0x6c: {  	[sflag:s16] =	ssyncadd.s32 @!p1 $0xFFFFFF80  }
0x6d: {  	_ =	swait.ge @!p1 [sflag:s16], $0x80  }
0x6e: {  	[sflag:s16] =	ssyncset.done @!p1 $0x0  }
0x6f: {  	[sflag:s16] =	ssyncadd.s32 @!p1 $0xFFFFFF80  }
0x70: {  	_ =	swait.ge @!p1 [sflag:s16], $0x80  }
0x71: {  	[sflag:s16] =	ssyncset.done @!p1 $0x0  }
0x72: {  	[sflag:s16] =	ssyncadd.s32 @!p1 $0xFFFFFF80  }
0x73: {  	_ =	swait.ge @!p1 [sflag:s16], $0x80  }
0x74: {  	[sflag:s16] =	ssyncset.done @!p1 $0x0  }
0x75: {  	[sflag:s16] =	ssyncadd.s32 @!p1 $0xFFFFFF80  }
0x76: {  	s16 =	sadd.s32 $0xB00, s15;
	p1 =	slt.u32 s14, $0x2;
	s28 =	sld [smem:s13+$0xFFFFFFFC]  }
0x77: {  	s21 =	sadd.s32 $0x980, s15;
	s19 =	sadd.s32 $0xA00, s15;
	s29 =	sld [smem:s13+$0xFFFFFFF8]  }
0x78: {  	s26 =	sadd.s32 $0x880, s15;
	s25 =	sadd.s32 $0x900, s15;
	s30 =	sld [smem:s13+$0xFFFFFFF9]  }
0x79: {  	s31 =	sld [smem:s13+$0xFFFFFFFB];
	s0 =	sshll.u32 s28, $0x4;
	s28 =	sadd.s32 $0x800, s15  }
0x7a: {  	s10 =	sadd.s32 $0x700, s15;
	s1 =	sshll.u32 s29, $0x4;
	s29 =	sadd.s32 $0x780, s15  }
0x7b: {  	s0 =	sand.u32 $0x1FFFFFF0, s0;
	s30 =	sshll.u32 s30, $0x4;
	s4 =	sld [smem:s13+$0xFFFFFFFD]  }
0x7c: {  	s1 =	sand.u32 $0x1FFFFFF0, s1;
	s30 =	sand.u32 $0x1FFFFFF0, s30;
	s5 =	sld [smem:s13+$0xFFFFFFFA]  }
0x7d: {  	s1 =	sadd.s32 s3, s1;
	s31 =	sshll.u32 s31, $0x4;
	s6 =	sld [smem:s13+$0xFFFFFFFF]  }
0x7e: {  	[tilespmem:s20], [sflag:$0x1] =	stream.linear.gather [hbm4b:s1+s2], $0x80, $0x38;
	[tilespmem:$0x10400] =	vst v63  }
0x7f: {  	s4 =	sshll.u32 s4, $0x4;
	s1 =	sshll.u32 s5, $0x4;
	s5 =	sld [smem:s13+$0xFFFFFFFE]  }
0x80: {  	s20 =	sadd.s32 s3, s30;
	s1 =	sand.u32 $0x1FFFFFF0, s1;
	s30 =	sld [smem:s13+$0x7]  }
0x81: {  	[tilespmem:s18], [sflag:$0x1] =	stream.linear.gather [hbm4b:s20+s2], $0x80, $0x38;
	[tilespmem:$0x10400] =	vst v63  }
0x82: {  	s6 =	sshll.u32 s6, $0x4;
	s1 =	sadd.s32 s3, s1;
	s18 =	sand.u32 $0x1FFFFFF0, s31  }
0x83: {  	s6 =	sand.u32 $0x1FFFFFF0, s6;
	s18 =	sadd.s32 s3, s18;
	s5 =	sshll.u32 s5, $0x4  }
0x84: {  	[tilespmem:s22], [sflag:$0x1] =	stream.linear.gather [hbm4b:s1+s2], $0x80, $0x38;
	[tilespmem:$0x10400] =	vst v63  }
0x85: {  	s0 =	sadd.s32 s3, s0;
	s1 =	sand.u32 $0x1FFFFFF0, s4;
	s4 =	sand.u32 $0x1FFFFFF0, s5  }
0x86: {  	[tilespmem:s24], [sflag:$0x1] =	stream.linear.gather [hbm4b:s18+s2], $0x80, $0x38;
	[tilespmem:$0x10400] =	vst v63  }
0x87: {  	s1 =	sadd.s32 s3, s1;
	s18 =	sshll.u32 s30, $0x4;
	s5 =	sld [smem:s13+$0x0]  }
0x88: {  	[tilespmem:s23], [sflag:$0x1] =	stream.linear.gather [hbm4b:s0+s2], $0x80, $0x38;
	[tilespmem:$0x10400] =	vst v63  }
0x89: {  	s18 =	sand.u32 $0x1FFFFFF0, s18;
	s0 =	sadd.s32 s3, s4;
	s4 =	sld [smem:s13+$0x1]  }
0x8a: {  	[tilespmem:s17], [sflag:$0x1] =	stream.linear.gather [hbm4b:s1+s2], $0x80, $0x38;
	[tilespmem:$0x10400] =	vst v63  }
0x8b: {  	s1 =	sadd.s32 s3, s6;
	s5 =	sshll.u32 s5, $0x4;
	s6 =	sld [smem:s13+$0x6]  }
0x8c: {  	[tilespmem:s10], [sflag:$0x1] =	stream.linear.gather [hbm4b:s0+s2], $0x80, $0x38;
	[tilespmem:$0x10400] =	vst v63  }
0x8d: {  	s0 =	sand.u32 $0x1FFFFFF0, s5;
	s4 =	sshll.u32 s4, $0x4;
	s5 =	sld [smem:s13+$0x2]  }
0x8e: {  	[tilespmem:s29], [sflag:$0x1] =	stream.linear.gather [hbm4b:s1+s2], $0x80, $0x38;
	[tilespmem:$0x10400] =	vst v63  }
0x8f: {  	s0 =	sadd.s32 s3, s0;
	s1 =	sand.u32 $0x1FFFFFF0, s4;
	s4 =	sld [smem:s13+$0x3]  }
0x90: {  	[tilespmem:s28], [sflag:$0x1] =	stream.linear.gather [hbm4b:s0+s2], $0x80, $0x38;
	[tilespmem:$0x10400] =	vst v63  }
0x91: {  	s0 =	sadd.s32 s3, s1;
	s1 =	sshll.u32 s5, $0x4;
	s5 =	sld [smem:s13+$0x4]  }
0x92: {  	[tilespmem:s26], [sflag:$0x1] =	stream.linear.gather [hbm4b:s0+s2], $0x80, $0x38;
	[tilespmem:$0x10400] =	vst v63  }
0x93: {  	s0 =	sand.u32 $0x1FFFFFF0, s1;
	s1 =	sshll.u32 s4, $0x4;
	s4 =	sld [smem:s13+$0x5]  }
0x94: {  	s0 =	sadd.s32 s3, s0;
	s1 =	sand.u32 $0x1FFFFFF0, s1;
	s5 =	sshll.u32 s5, $0x4  }
0x95: {  	[tilespmem:s25], [sflag:$0x1] =	stream.linear.gather [hbm4b:s0+s2], $0x80, $0x38;
	[tilespmem:$0x10400] =	vst v63  }
0x96: {  	s0 =	sadd.s32 s3, s1;
	s1 =	sand.u32 $0x1FFFFFF0, s5;
	s4 =	sshll.u32 s4, $0x4  }
0x97: {  	[tilespmem:s21], [sflag:$0x1] =	stream.linear.gather [hbm4b:s0+s2], $0x80, $0x38;
	[tilespmem:$0x10400] =	vst v63  }
0x98: {  	s0 =	sadd.s32 s3, s1;
	s1 =	sand.u32 $0x1FFFFFF0, s4;
	s4 =	sshll.u32 s6, $0x4  }
0x99: {  	[tilespmem:s19], [sflag:$0x1] =	stream.linear.gather [hbm4b:s0+s2], $0x80, $0x38;
	[tilespmem:$0x10400] =	vst v63  }
0x9a: {  	s1 =	sadd.s32 s3, s1;
	s4 =	sand.u32 $0x1FFFFFF0, s4;
	s0 =	sadd.s32 $0xA80, s15  }
0x9b: {  	[tilespmem:s0], [sflag:$0x1] =	stream.linear.gather [hbm4b:s1+s2], $0x80, $0x38;
	[tilespmem:$0x10400] =	vst v63  }
0x9c: {  	s0 =	sadd.s32 s3, s4;
	s1 =	sadd.s32 $0xB80, s15;
	s4 =	sadd.s32 s3, s18  }
0x9d: {  	[tilespmem:s16], [sflag:$0x1] =	stream.linear.gather [hbm4b:s0+s2], $0x80, $0x38;
	[tilespmem:$0x10400] =	vst v63  }
.Ltmp0:
0x9e: {  	s16 =	simm.s32 @!p1 $0x1;
	(pc) =	sbr.rel @p2 .LBB2_2-.Ltmp0, $4  }
0x9f: {  	[tilespmem:s1], [sflag:$0x1] =	stream.linear.gather [hbm4b:s4+s2], $0x80, $0x38;
	[tilespmem:$0x10400] =	vst v63  }
0xa0: {  	_ =	swait.ge @!p1 [sflag:s16], $0x80  }
0xa1: {  	[sflag:s16] =	ssyncset.done @!p1 $0x0  }
0xa2: {  	s13 =	sadd.s32 $0x10, s13;
	[sflag:s16] =	ssyncadd.s32 @!p1 $0xFFFFFF80  }
0xa3: {  	_ =	swait.ge @!p1 [sflag:s16], $0x80  }
0xa4: {  	[sflag:s16] =	ssyncset.done @!p1 $0x0  }
0xa5: {  	[sflag:s16] =	ssyncadd.s32 @!p1 $0xFFFFFF80  }
0xa6: {  	_ =	swait.ge @!p1 [sflag:s16], $0x80  }
0xa7: {  	[sflag:s16] =	ssyncset.done @!p1 $0x0  }
0xa8: {  	[sflag:s16] =	ssyncadd.s32 @!p1 $0xFFFFFF80  }
0xa9: {  	_ =	swait.ge @!p1 [sflag:s16], $0x80  }
0xaa: {  	[sflag:s16] =	ssyncset.done @!p1 $0x0  }
0xab: {  	[sflag:s16] =	ssyncadd.s32 @!p1 $0xFFFFFF80  }
0xac: {  	_ =	swait.ge @!p1 [sflag:s16], $0x80  }
0xad: {  	[sflag:s16] =	ssyncset.done @!p1 $0x0  }
0xae: {  	[sflag:s16] =	ssyncadd.s32 @!p1 $0xFFFFFF80  }
0xaf: {  	_ =	swait.ge @!p1 [sflag:s16], $0x80  }
0xb0: {  	[sflag:s16] =	ssyncset.done @!p1 $0x0  }
0xb1: {  	[sflag:s16] =	ssyncadd.s32 @!p1 $0xFFFFFF80  }
0xb2: {  	_ =	swait.ge @!p1 [sflag:s16], $0x80  }
0xb3: {  	[sflag:s16] =	ssyncset.done @!p1 $0x0  }
0xb4: {  	[sflag:s16] =	ssyncadd.s32 @!p1 $0xFFFFFF80  }
0xb5: {  	_ =	swait.ge @!p1 [sflag:s16], $0x80  }
0xb6: {  	[sflag:s16] =	ssyncset.done @!p1 $0x0  }
0xb7: {  	[sflag:s16] =	ssyncadd.s32 @!p1 $0xFFFFFF80  }
0xb8: {  	_ =	swait.ge @!p1 [sflag:s16], $0x80  }
0xb9: {  	[sflag:s16] =	ssyncset.done @!p1 $0x0  }
0xba: {  	[sflag:s16] =	ssyncadd.s32 @!p1 $0xFFFFFF80  }
0xbb: {  	_ =	swait.ge @!p1 [sflag:s16], $0x80  }
0xbc: {  	[sflag:s16] =	ssyncset.done @!p1 $0x0  }
0xbd: {  	[sflag:s16] =	ssyncadd.s32 @!p1 $0xFFFFFF80  }
0xbe: {  	_ =	swait.ge @!p1 [sflag:s16], $0x80  }
0xbf: {  	[sflag:s16] =	ssyncset.done @!p1 $0x0  }
0xc0: {  	[sflag:s16] =	ssyncadd.s32 @!p1 $0xFFFFFF80  }
0xc1: {  	_ =	swait.ge @!p1 [sflag:s16], $0x80  }
0xc2: {  	[sflag:s16] =	ssyncset.done @!p1 $0x0  }
0xc3: {  	[sflag:s16] =	ssyncadd.s32 @!p1 $0xFFFFFF80  }
0xc4: {  	_ =	swait.ge @!p1 [sflag:s16], $0x80  }
0xc5: {  	[sflag:s16] =	ssyncset.done @!p1 $0x0  }
0xc6: {  	[sflag:s16] =	ssyncadd.s32 @!p1 $0xFFFFFF80  }
0xc7: {  	_ =	swait.ge @!p1 [sflag:s16], $0x80  }
0xc8: {  	[sflag:s16] =	ssyncset.done @!p1 $0x0  }
0xc9: {  	[sflag:s16] =	ssyncadd.s32 @!p1 $0xFFFFFF80  }
0xca: {  	_ =	swait.ge @!p1 [sflag:s16], $0x80  }
0xcb: {  	[sflag:s16] =	ssyncset.done @!p1 $0x0  }
0xcc: {  	[sflag:s16] =	ssyncadd.s32 @!p1 $0xFFFFFF80  }
0xcd: {  	_ =	swait.ge @!p1 [sflag:s16], $0x80  }
0xce: {  	[sflag:s16] =	ssyncset.done @!p1 $0x0  }
0xcf: {  	[sflag:s16] =	ssyncadd.s32 @!p1 $0xFFFFFF80  }
0xd0: {  	_ =	swait.ge [sflag:s9], $0x80  }
0xd1: {  	[sflag:s9] =	ssyncset.done $0x0  }
0xd2: {  	[sflag:s9] =	ssyncadd.s32 $0xFFFFFF80  }
0xd3: {  	_ =	swait.ge [sflag:s9], $0x80  }
0xd4: {  	[sflag:s9] =	ssyncset.done $0x0  }
0xd5: {  	[sflag:s9] =	ssyncadd.s32 $0xFFFFFF80  }
0xd6: {  	_ =	swait.ge [sflag:s9], $0x80  }
0xd7: {  	[sflag:s9] =	ssyncset.done $0x0  }
0xd8: {  	[sflag:s9] =	ssyncadd.s32 $0xFFFFFF80  }
0xd9: {  	_ =	swait.ge [sflag:s9], $0x80  }
0xda: {  	[sflag:s9] =	ssyncset.done $0x0  }
0xdb: {  	[sflag:s9] =	ssyncadd.s32 $0xFFFFFF80  }
0xdc: {  	_ =	swait.ge [sflag:s9], $0x80  }
0xdd: {  	[sflag:s9] =	ssyncset.done $0x0  }
0xde: {  	[sflag:s9] =	ssyncadd.s32 $0xFFFFFF80  }
0xdf: {  	_ =	swait.ge [sflag:s9], $0x80  }
0xe0: {  	[sflag:s9] =	ssyncset.done $0x0  }
0xe1: {  	[sflag:s9] =	ssyncadd.s32 $0xFFFFFF80  }
0xe2: {  	_ =	swait.ge [sflag:s9], $0x80  }
0xe3: {  	[sflag:s9] =	ssyncset.done $0x0  }
0xe4: {  	[sflag:s9] =	ssyncadd.s32 $0xFFFFFF80  }
0xe5: {  	_ =	swait.ge [sflag:s9], $0x80  }
0xe6: {  	[sflag:s9] =	ssyncset.done $0x0  }
0xe7: {  	[sflag:s9] =	ssyncadd.s32 $0xFFFFFF80  }
0xe8: {  	_ =	swait.ge [sflag:s9], $0x80  }
0xe9: {  	[sflag:s9] =	ssyncset.done $0x0  }
0xea: {  	[sflag:s9] =	ssyncadd.s32 $0xFFFFFF80  }
0xeb: {  	_ =	swait.ge [sflag:s9], $0x80  }
0xec: {  	[sflag:s9] =	ssyncset.done $0x0  }
0xed: {  	[sflag:s9] =	ssyncadd.s32 $0xFFFFFF80  }
0xee: {  	_ =	swait.ge [sflag:s9], $0x80  }
0xef: {  	[sflag:s9] =	ssyncset.done $0x0  }
0xf0: {  	[sflag:s9] =	ssyncadd.s32 $0xFFFFFF80  }
0xf1: {  	_ =	swait.ge [sflag:s9], $0x80  }
0xf2: {  	[sflag:s9] =	ssyncset.done $0x0  }
0xf3: {  	[sflag:s9] =	ssyncadd.s32 $0xFFFFFF80  }
0xf4: {  	_ =	swait.ge [sflag:s9], $0x80  }
0xf5: {  	[sflag:s9] =	ssyncset.done $0x0  }
0xf6: {  	[sflag:s9] =	ssyncadd.s32 $0xFFFFFF80  }
0xf7: {  	_ =	swait.ge [sflag:s9], $0x80  }
0xf8: {  	[sflag:s9] =	ssyncset.done $0x0  }
0xf9: {  	[sflag:s9] =	ssyncadd.s32 $0xFFFFFF80  }
0xfa: {  	_ =	swait.ge [sflag:s9], $0x80  }
0xfb: {  	[sflag:s9] =	ssyncset.done $0x0  }
0xfc: {  	[sflag:s9] =	ssyncadd.s32 $0xFFFFFF80  }
0xfd: {  	_ =	swait.ge [sflag:s9], $0x80  }
0xfe: {  	[sflag:s9] =	ssyncset.done $0x0  }
0xff: {  	[sflag:s9] =	ssyncadd.s32 $0xFFFFFF80  }
0x100: {  	_ =	swait.ge [sflag:s9], $0x80  }
0x101: {  	[sflag:s9] =	ssyncset.done $0x0  }
0x102: {  	[sflag:s9] =	ssyncadd.s32 $0xFFFFFF80  }
0x103: {  	_ =	swait.ge [sflag:s9], $0x80  }
0x104: {  	[sflag:s9] =	ssyncset.done $0x0  }
0x105: {  	[sflag:s9] =	ssyncadd.s32 $0xFFFFFF80  }
0x106: {  	_ =	swait.ge [sflag:s9], $0x80  }
0x107: {  	[sflag:s9] =	ssyncset.done $0x0  }
0x108: {  	[sflag:s9] =	ssyncadd.s32 $0xFFFFFF80  }
0x109: {  	_ =	swait.ge [sflag:s9], $0x80  }
0x10a: {  	[sflag:s9] =	ssyncset.done $0x0  }
0x10b: {  	[sflag:s9] =	ssyncadd.s32 $0xFFFFFF80  }
0x10c: {  	_ =	swait.ge [sflag:s9], $0x80  }
0x10d: {  	[sflag:s9] =	ssyncset.done $0x0  }
0x10e: {  	[sflag:s9] =	ssyncadd.s32 $0xFFFFFF80  }
0x10f: {  	_ =	swait.ge [sflag:s9], $0x80  }
0x110: {  	[sflag:s9] =	ssyncset.done $0x0  }
0x111: {  	[sflag:s9] =	ssyncadd.s32 $0xFFFFFF80  }
0x112: {  	_ =	swait.ge [sflag:s9], $0x80  }
0x113: {  	[sflag:s9] =	ssyncset.done $0x0  }
0x114: {  	[sflag:s9] =	ssyncadd.s32 $0xFFFFFF80  }
0x115: {  	_ =	swait.ge [sflag:s9], $0x80  }
0x116: {  	[sflag:s9] =	ssyncset.done $0x0  }
0x117: {  	[sflag:s9] =	ssyncadd.s32 $0xFFFFFF80  }
0x118: {  	_ =	swait.ge [sflag:s9], $0x80  }
0x119: {  	[sflag:s9] =	ssyncset.done $0x0  }
0x11a: {  	[sflag:s9] =	ssyncadd.s32 $0xFFFFFF80  }
0x11b: {  	_ =	swait.ge [sflag:s9], $0x80  }
0x11c: {  	[sflag:s9] =	ssyncset.done $0x0  }
0x11d: {  	[sflag:s9] =	ssyncadd.s32 $0xFFFFFF80  }
0x11e: {  	_ =	swait.ge [sflag:s9], $0x80  }
0x11f: {  	[sflag:s9] =	ssyncset.done $0x0  }
0x120: {  	[sflag:s9] =	ssyncadd.s32 $0xFFFFFF80  }
0x121: {  	_ =	swait.ge [sflag:s9], $0x80  }
0x122: {  	[sflag:s9] =	ssyncset.done $0x0  }
0x123: {  	[sflag:s9] =	ssyncadd.s32 $0xFFFFFF80  }
0x124: {  	_ =	swait.ge [sflag:s9], $0x80  }
0x125: {  	[sflag:s9] =	ssyncset.done $0x0  }
0x126: {  	[sflag:s9] =	ssyncadd.s32 $0xFFFFFF80  }
0x127: {  	_ =	swait.ge [sflag:s9], $0x80  }
0x128: {  	[sflag:s9] =	ssyncset.done $0x0  }
0x129: {  	[sflag:s9] =	ssyncadd.s32 $0xFFFFFF80  }
0x12a: {  	_ =	swait.ge [sflag:s9], $0x80  }
0x12b: {  	[sflag:s9] =	ssyncset.done $0x0  }
0x12c: {  	[sflag:s9] =	ssyncadd.s32 $0xFFFFFF80  }
0x12d: {  	_ =	swait.ge [sflag:s9], $0x80  }
0x12e: {  	[sflag:s9] =	ssyncset.done $0x0  }
0x12f: {  	s1 =	simm.s32 $0x400;
	s0 =	rddreg [dreg:$0x5];
	[sflag:s9] =	ssyncadd.s32 $0xFFFFFF80  }
0x130: {  	[hbm4b:s0+s2] =	stream.linear.scatter [tilespmem:s1], [sflag:$0x2], $0x10000, $0x38;
	[tilespmem:$0x10400] =	vst v63  }
0x131: {  	_ =	swait.ge [sflag:s8], $0x10000  }
0x132: {  	s11 =	sadd.s32 $0x1, s11;
	s31 =	rddreg [dreg:$0x6]  }
0x133: {  	p1 =	sne.s32 s11, s31  }
.Ltmp1:
0x134: {  	_ = 	snop;
	(pc) =	sbr.rel @p1 .LBB2_1-.Ltmp1, $3  }
0x135: {  	_ =	sdelay $0x1  }
0x136: {  	[sflag:s8] =	ssyncset.done $0x0  }
0x137: {  	[sflag:s8] =	ssyncadd.s32 $0xFFFF0000  }
0x138: {  	_ =	sfence.sel $0x180000  }
0x139: {  	[bflag:$0x0] =	sbarrier.arrive $0xFFFF  }
0x13a: {  	_ =	strace $0x90000047  }
0x13b: {  	[bflag:$0x2] =	sbarrier.arrive $0xFFFF  }
0x13c: {  	s0 =	rddreg [dreg:$0x3]  }
0x13d: {  	s0 =	sadd.s32 @!p0 $0x100000, s0  }
0x13e: {  	[sflag:s0] =	ssyncadd.tile.s32 @!p0 $0x1;
	_ =	shalt  }
.Lfunc_end2:
_tile_overlayer_lowered:
.L_overlay_start_2:
0x13f: {  	(tag) =	ssettag $0x2  }
0x140: {  	s0 =	rddreg [dreg:$0x0];
	s2 =	stileid.u32  }
0x141: {  	s1 =	rddreg [dreg:$0x1];
	p0 =	sne.s32 s2, $0x0  }
0x142: {  	s3 =	rddreg [dreg:$0x2];
	[bflag:$0x3] =	sbarrier.arrive $0xFFFF;
	s2 =	simm.s32 @!p0 $0x1C02  }
0x143: {  	[timem:s3], [sflag:s2] =	dma.local @!p0 [hbm:s0], s1  }
0x144: {  	s0 =	simm.s32 @!p0 $0x2  }
0x145: {  	_ =	swait.ge @!p0 [sflag:s0], s1  }
0x146: {  	s1 =	ssub.s32 @!p0 $0x0, s1;
	[sflag:s0] =	ssyncset.done @!p0 $0x0  }
0x147: {  	[sflag:s0] =	ssyncadd.s32 @!p0 s1  }
0x148: {  	[bflag:$0x3] =	sbarrier.arrive $0xFFFF  }
0x149: {  	_ =	shalt  }

</sc_bundles>
